<compile_context>
chip_gen: v7x
topology: tpu7x:2x2x1
jax: 0.10.2.dev20260603
libtpu: 0.0.44.dev20260713+nightly
codegen_flags: <defaults>
</compile_context>

<pallas_src>
import functools

import jax
import jax.numpy as jnp
from jax import lax
from jax.experimental import pallas as pl
from jax.experimental.pallas import tpu as pltpu
from jax.experimental.pallas import tpu_sc as plsc

NC = 2
NS = 16
LANES = 16


@functools.partial(jax.jit, static_argnames=("n", "e", "w", "ch"))
def _sc_gine_aggr(x, src, dst, ea, zeros, *, n, e, w, ch):
    nw = NC * NS
    epw = e // nw
    nchunks = epw // ch
    npairs = nchunks // 2
    tail = nchunks % 2
    rpt = ((n + NS - 1) // NS + 7) // 8 * 8
    last_rows = n - (NS - 1) * rpt
    assert last_rows > 0 and last_rows % 8 == 0

    mesh = plsc.VectorSubcoreMesh(core_axis_name="c", subcore_axis_name="s")

    @functools.partial(
        pl.kernel,
        out_type=jax.ShapeDtypeStruct((NC, n, w), jnp.float32),
        mesh=mesh,
        scratch_types=[
            pltpu.VMEM((2, ch), jnp.int32),
            pltpu.VMEM((2, ch), jnp.int32),
            pltpu.VMEM((2, ch), jnp.int32),
            pltpu.VMEM((2, ch, w), jnp.float32),
            pltpu.VMEM((2, ch, w), jnp.float32),
            pltpu.VMEM_SHARED((n, w), jnp.float32),
            pltpu.SemaphoreType.DMA,
            pltpu.SemaphoreType.DMA,
            pltpu.SemaphoreType.DMA,
            pltpu.SemaphoreType.DMA,
            pltpu.SemaphoreType.DMA,
            pltpu.SemaphoreType.DMA,
        ],
        compiler_params=pltpu.CompilerParams(use_tc_tiling_on_sc=False),
    )
    def aggr_kernel(x_hbm, src_hbm, dst_hbm, ea_hbm, zeros_hbm, out_hbm,
                    src_v, dst_v, dsc_v, rows_v, ea_v, acc_sh,
                    sem_l0, sem_l1, sem_g0, sem_g1, sem_s0, sem_s1):
        c = lax.axis_index("c")
        s = lax.axis_index("s")
        wid = s * NC + c
        sems_l = (sem_l0, sem_l1)
        sems_g = (sem_g0, sem_g1)
        sems_s = (sem_s0, sem_s1)

        row0 = s * rpt

        @pl.when(s < NS - 1)
        def _zero_main():
            pltpu.sync_copy(zeros_hbm.at[pl.ds(row0, rpt)],
                            acc_sh.at[pl.ds(row0, rpt)])

        @pl.when(s == NS - 1)
        def _zero_last():
            pltpu.sync_copy(zeros_hbm.at[pl.ds((NS - 1) * rpt, last_rows)],
                            acc_sh.at[pl.ds((NS - 1) * rpt, last_rows)])

        plsc.subcore_barrier()

        base = wid * epw

        def start_lin(ci, slot):
            off = base + ci * ch
            pltpu.async_copy(src_hbm.at[pl.ds(off, ch)], src_v.at[slot],
                             sems_l[slot])
            pltpu.async_copy(dst_hbm.at[pl.ds(off, ch)], dst_v.at[slot],
                             sems_l[slot])
            pltpu.async_copy(ea_hbm.at[pl.ds(off, ch)], ea_v.at[slot],
                             sems_l[slot])

        def wait_lin(slot):
            pltpu.make_async_copy(src_hbm.at[pl.ds(0, ch)], src_v.at[slot],
                                  sems_l[slot]).wait()
            pltpu.make_async_copy(dst_hbm.at[pl.ds(0, ch)], dst_v.at[slot],
                                  sems_l[slot]).wait()
            pltpu.make_async_copy(ea_hbm.at[pl.ds(0, ch)], ea_v.at[slot],
                                  sems_l[slot]).wait()

        def start_gather(slot):
            pltpu.async_copy(x_hbm.at[src_v.at[slot]], rows_v.at[slot],
                             sems_g[slot])

        def wait_gather(slot):
            pltpu.make_async_copy(x_hbm.at[pl.ds(0, ch)], rows_v.at[slot],
                                  sems_g[slot]).wait()

        def start_scatter(slot):
            for j in range(ch // LANES):
                sl = pl.ds(j * LANES, LANES)
                dsc_v[slot, sl] = dst_v[slot, sl]
            pltpu.async_copy(rows_v.at[slot], acc_sh.at[dsc_v.at[slot]],
                             sems_s[slot], add=True)

        def wait_scatter(slot):
            pltpu.make_async_copy(x_hbm.at[pl.ds(0, ch)], rows_v.at[slot],
                                  sems_s[slot]).wait()

        def compute(slot):
            def edge_body(ei, cc):
                for k in range(w // LANES):
                    sl = pl.ds(k * LANES, LANES)
                    v = rows_v[slot, ei, sl] + ea_v[slot, ei, sl]
                    rows_v[slot, ei, sl] = jnp.maximum(v, 0.0)
                return cc

            lax.fori_loop(0, ch, edge_body, 0)

        start_lin(0, 0)
        start_lin(1, 1)
        wait_lin(0)
        start_gather(0)

        def pair_body(i2, carry):
            a = 2 * i2
            wait_gather(0)
            wait_lin(1)

            @pl.when(i2 > 0)
            def _drain_s1():
                wait_scatter(1)

            start_gather(1)
            compute(0)
            start_scatter(0)

            @pl.when(a + 2 < nchunks)
            def _lin_next0():
                start_lin(a + 2, 0)

            wait_gather(1)
            wait_scatter(0)

            @pl.when(a + 2 < nchunks)
            def _gather_next0():
                wait_lin(0)
                start_gather(0)

            compute(1)
            start_scatter(1)

            @pl.when(a + 3 < nchunks)
            def _lin_next1():
                start_lin(a + 3, 1)

            return carry

        lax.fori_loop(0, npairs, pair_body, 0)

        if tail:
            wait_gather(0)
            compute(0)
            start_scatter(0)
        wait_scatter(0)
        wait_scatter(1)
        plsc.subcore_barrier()

        @pl.when(s < NS - 1)
        def _out_main():
            pltpu.sync_copy(acc_sh.at[pl.ds(row0, rpt)],
                            out_hbm.at[c, pl.ds(row0, rpt)])

        @pl.when(s == NS - 1)
        def _out_last():
            pltpu.sync_copy(acc_sh.at[pl.ds((NS - 1) * rpt, last_rows)],
                            out_hbm.at[c, pl.ds((NS - 1) * rpt, last_rows)])

    return aggr_kernel(x, src, dst, ea, zeros)


def _tc_edge_embed(edge_attr, We1, be1, We2, be2, *, be_blk):
    e, de = edge_attr.shape
    d1 = We1.shape[1]
    d2 = We2.shape[1]

    def body(a_ref, w1_ref, b1_ref, w2_ref, b2_ref, o1_ref, o2_ref):
        a = a_ref[...]
        o1_ref[...] = jnp.dot(a, w1_ref[...],
                              preferred_element_type=jnp.float32) + b1_ref[...]
        o2_ref[...] = jnp.dot(a, w2_ref[...],
                              preferred_element_type=jnp.float32) + b2_ref[...]

    return pl.pallas_call(
        body,
        grid=(e // be_blk,),
        in_specs=[
            pl.BlockSpec((be_blk, de), lambda i: (i, 0)),
            pl.BlockSpec((de, d1), lambda i: (0, 0)),
            pl.BlockSpec((1, d1), lambda i: (0, 0)),
            pl.BlockSpec((de, d2), lambda i: (0, 0)),
            pl.BlockSpec((1, d2), lambda i: (0, 0)),
        ],
        out_specs=[
            pl.BlockSpec((be_blk, d1), lambda i: (i, 0)),
            pl.BlockSpec((be_blk, d2), lambda i: (i, 0)),
        ],
        out_shape=[
            jax.ShapeDtypeStruct((e, d1), jnp.float32),
            jax.ShapeDtypeStruct((e, d2), jnp.float32),
        ],
    )(edge_attr, We1, be1, We2, be2)


def _tc_node_mlp(x, parts, Wa, ba, Wb, bb, *, bn):
    n, d = x.shape
    dh = Wa.shape[1]
    do = Wb.shape[1]

    def body(x_ref, p_ref, wa_ref, ba_ref, wb_ref, bb_ref, o_ref):
        h = x_ref[...] + p_ref[0] + p_ref[1]
        t = jnp.maximum(
            jnp.dot(h, wa_ref[...], preferred_element_type=jnp.float32)
            + ba_ref[...], 0.0)
        o_ref[...] = jnp.dot(t, wb_ref[...],
                             preferred_element_type=jnp.float32) + bb_ref[...]

    return pl.pallas_call(
        body,
        grid=(n // bn,),
        in_specs=[
            pl.BlockSpec((bn, d), lambda i: (i, 0)),
            pl.BlockSpec((NC, bn, d), lambda i: (0, i, 0)),
            pl.BlockSpec((d, dh), lambda i: (0, 0)),
            pl.BlockSpec((1, dh), lambda i: (0, 0)),
            pl.BlockSpec((dh, do), lambda i: (0, 0)),
            pl.BlockSpec((1, do), lambda i: (0, 0)),
        ],
        out_specs=pl.BlockSpec((bn, do), lambda i: (i, 0)),
        out_shape=jax.ShapeDtypeStruct((n, do), jnp.float32),
    )(x, parts, Wa, ba, Wb, bb)


def _tc_mlp_pool_heads(h1, parts, W2a, b2a, W2b, b2b, W3, b3, W4, b4,
                       W5, b5, W6, b6, W7, b7, W8, b8, *, bn):
    n, d = h1.shape
    sc = W6.shape[1]
    tc = W8.shape[1]

    def body(h_ref, p_ref, w2a_ref, b2a_ref, w2b_ref, b2b_ref,
             w3_ref, b3_ref, w4_ref, b4_ref, w5_ref, b5_ref, w6_ref, b6_ref,
             w7_ref, b7_ref, w8_ref, b8_ref, s_ref, t_ref, acc_ref):
        i = pl.program_id(0)

        @pl.when(i == 0)
        def _init():
            acc_ref[...] = jnp.zeros_like(acc_ref)

        h2 = h_ref[...] + p_ref[0] + p_ref[1]
        z = jnp.maximum(
            jnp.dot(h2, w2a_ref[...], preferred_element_type=jnp.float32)
            + b2a_ref[...], 0.0)
        z = jnp.dot(z, w2b_ref[...],
                    preferred_element_type=jnp.float32) + b2b_ref[...]
        acc_ref[...] += jnp.sum(z, axis=0, keepdims=True)

        @pl.when(i == pl.num_programs(0) - 1)
        def _heads():
            g = acc_ref[...] * (1.0 / n)
            z3 = jnp.maximum(
                jnp.dot(g, w3_ref[...], preferred_element_type=jnp.float32)
                + b3_ref[...], 0.0)
            z4 = jnp.maximum(
                jnp.dot(z3, w4_ref[...], preferred_element_type=jnp.float32)
                + b4_ref[...], 0.0)
            zs = jnp.maximum(
                jnp.dot(z4, w5_ref[...], preferred_element_type=jnp.float32)
                + b5_ref[...], 0.0)
            s_ref[...] = jax.nn.sigmoid(
                jnp.dot(zs, w6_ref[...], preferred_element_type=jnp.float32)
                + b6_ref[...])
            zt = jnp.maximum(
                jnp.dot(z4, w7_ref[...], preferred_element_type=jnp.float32)
                + b7_ref[...], 0.0)
            t_ref[...] = jax.nn.sigmoid(
                jnp.dot(zt, w8_ref[...], preferred_element_type=jnp.float32)
                + b8_ref[...])

    full = lambda shape: pl.BlockSpec(shape, lambda i: tuple(0 for _ in shape))
    return pl.pallas_call(
        body,
        grid=(n // bn,),
        in_specs=[
            pl.BlockSpec((bn, d), lambda i: (i, 0)),
            pl.BlockSpec((NC, bn, d), lambda i: (0, i, 0)),
            full(W2a.shape), full((1, b2a.shape[-1])),
            full(W2b.shape), full((1, b2b.shape[-1])),
            full(W3.shape), full((1, b3.shape[-1])),
            full(W4.shape), full((1, b4.shape[-1])),
            full(W5.shape), full((1, b5.shape[-1])),
            full(W6.shape), full((1, b6.shape[-1])),
            full(W7.shape), full((1, b7.shape[-1])),
            full(W8.shape), full((1, b8.shape[-1])),
        ],
        out_specs=[
            pl.BlockSpec((1, sc), lambda i: (0, 0)),
            pl.BlockSpec((1, tc), lambda i: (0, 0)),
        ],
        out_shape=[
            jax.ShapeDtypeStruct((1, sc), jnp.float32),
            jax.ShapeDtypeStruct((1, tc), jnp.float32),
        ],
        scratch_shapes=[pltpu.VMEM((1, d), jnp.float32)],
    )(h1, parts, W2a, b2a.reshape(1, -1), W2b, b2b.reshape(1, -1),
      W3, b3.reshape(1, -1), W4, b4.reshape(1, -1), W5, b5.reshape(1, -1),
      W6, b6.reshape(1, -1), W7, b7.reshape(1, -1), W8, b8.reshape(1, -1))


def kernel(x, edge_index, edge_attr, We1, be1, W1a, b1a, W1b, b1b,
           We2, be2, W2a, b2a, W2b, b2b, W3, b3, W4, b4, W5, b5, W6, b6,
           W7, b7, W8, b8):
    n, d = x.shape
    e = edge_attr.shape[0]
    src = edge_index[0]
    dst = edge_index[1]

    ea1, ea2 = _tc_edge_embed(edge_attr, We1, be1.reshape(1, -1),
                              We2, be2.reshape(1, -1), be_blk=4000)

    zeros128 = jnp.zeros((n, d), jnp.float32)
    p1 = _sc_gine_aggr(x, src, dst, ea1, zeros128, n=n, e=e, w=d, ch=80)
    h1 = _tc_node_mlp(x, p1, W1a, b1a.reshape(1, -1), W1b, b1b.reshape(1, -1),
                      bn=2000)

    d2 = h1.shape[1]
    zeros64 = jnp.zeros((n, d2), jnp.float32)
    p2 = _sc_gine_aggr(h1, src, dst, ea2, zeros64, n=n, e=e, w=d2, ch=80)

    s, t = _tc_mlp_pool_heads(h1, p2, W2a, b2a, W2b, b2b, W3, b3, W4, b4,
                              W5, b5, W6, b6, W7, b7, W8, b8, bn=2000)
    return (s.reshape(-1), t.reshape(-1))

# --- scband reference (transcript-rebuilt; emitter-appended) ---
"""Pipeline reference for scband-actor-62010737819650 (READ-ONLY COPY).

The authoritative reference and input builder live on the scoring server;
editing this copy changes nothing except your own understanding.
"""

import jax, jax.numpy as jnp
import numpy as np

N = 10000
E = 320000
D = 128
DE = 16
SC = 50
TC = 20

def setup_inputs(seed: int = 0):
    key = jax.random.key(seed)
    ks = jax.random.split(key, 30)
    inp = {}
    inp['x'] = jax.random.normal(ks[0], (N, D), dtype=jnp.float32)
    inp['edge_index'] = jax.random.randint(ks[1], (2, E), 0, N, dtype=jnp.int32)
    inp['edge_attr'] = jax.random.normal(ks[2], (E, DE), dtype=jnp.float32)
    def lin(k, fi, fo):
        kw, kb = jax.random.split(k)
        s = 1.0 / float(np.sqrt(fi))
        return (jax.random.uniform(kw, (fi, fo), jnp.float32, -s, s), jax.random.uniform(kb, (fo,), jnp.float32, -s, s))
    inp['We1'], inp['be1'] = lin(ks[3], DE, D)
    inp['W1a'], inp['b1a'] = lin(ks[4], D, 64)
    inp['W1b'], inp['b1b'] = lin(ks[5], 64, 64)
    inp['We2'], inp['be2'] = lin(ks[6], DE, 64)
    inp['W2a'], inp['b2a'] = lin(ks[7], 64, 64)
    inp['W2b'], inp['b2b'] = lin(ks[8], 64, 64)
    inp['W3'], inp['b3'] = lin(ks[9], 64, 256)
    inp['W4'], inp['b4'] = lin(ks[10], 256, 128)
    inp['W5'], inp['b5'] = lin(ks[11], 128, 64)
    inp['W6'], inp['b6'] = lin(ks[12], 64, SC)
    inp['W7'], inp['b7'] = lin(ks[13], 128, 64)
    inp['W8'], inp['b8'] = lin(ks[14], 64, TC)
    return inp

def _gine(x, edge_index, edge_attr, We, be, Wa, ba, Wb, bb):
    # GINEConv with eps=0: out = mlp(x + sum_j ReLU(x_j + lin_e(e_ij)))
    src = edge_index[0]
    dst = edge_index[1]
    ea = edge_attr @ We + be
    msg = jax.nn.relu(x[src] + ea)
    aggr = jax.ops.segment_sum(msg, dst, num_segments=x.shape[0])
    h = x + aggr
    h = jax.nn.relu(h @ Wa + ba)
    return h @ Wb + bb

def reference(x, edge_index, edge_attr, We1, be1, W1a, b1a, W1b, b1b, We2, be2, W2a, b2a, W2b, b2b, W3, b3, W4, b4, W5, b5, W6, b6, W7, b7, W8, b8):
    h = _gine(x, edge_index, edge_attr, We1, be1, W1a, b1a, W1b, b1b)
    h = _gine(h, edge_index, edge_attr, We2, be2, W2a, b2a, W2b, b2b)
    g = jnp.mean(h, axis=0, keepdims=True)  # global_mean_pool, single graph (batch=zeros)
    z = jax.nn.relu(g @ W3 + b3)
    z = jax.nn.relu(z @ W4 + b4)
    s = jax.nn.sigmoid(jax.nn.relu(z @ W5 + b5) @ W6 + b6)
    t = jax.nn.sigmoid(jax.nn.relu(z @ W7 + b7) @ W8 + b8)
    return (s.reshape(-1), t.reshape(-1))

if __name__ == "__main__":
    import jax
    _d = setup_inputs()
    print(jax.jit(kernel)(*tuple(_d.values())))

</pallas_src>

<mosaic_0001>
#map = affine_map<(d0, d1) -> (0, 0)>
#map1 = affine_map<(d0, d1) -> (0)>
#map2 = affine_map<(d0, d1) -> (0, 0, 0)>
module attributes {stable_mosaic.version = 14 : i64} {
  func.func @aggr_kernel(%arg0: i32, %arg1: i32, %arg2: memref<10000x128xf32, #tpu.memory_space<hbm>>, %arg3: memref<320000xi32, #tpu.memory_space<hbm>>, %arg4: memref<320000xi32, #tpu.memory_space<hbm>>, %arg5: memref<320000x128xf32, #tpu.memory_space<hbm>>, %arg6: memref<10000x128xf32, #tpu.memory_space<hbm>>, %arg7: memref<2x10000x128xf32, #tpu.memory_space<hbm>>, %arg8: memref<2x80xi32, #tpu.memory_space<vmem>>, %arg9: memref<2x80xi32, #tpu.memory_space<vmem>>, %arg10: memref<2x80xi32, #tpu.memory_space<vmem>>, %arg11: memref<2x80x128xf32, #tpu.memory_space<vmem>>, %arg12: memref<2x80x128xf32, #tpu.memory_space<vmem>>, %arg13: memref<10000x128xf32, #tpu.memory_space<vmem_shared>>, %arg14: memref<!tpu.dma_semaphore, #tpu.memory_space<semaphore_mem>>, %arg15: memref<!tpu.dma_semaphore, #tpu.memory_space<semaphore_mem>>, %arg16: memref<!tpu.dma_semaphore, #tpu.memory_space<semaphore_mem>>, %arg17: memref<!tpu.dma_semaphore, #tpu.memory_space<semaphore_mem>>, %arg18: memref<!tpu.dma_semaphore, #tpu.memory_space<semaphore_mem>>, %arg19: memref<!tpu.dma_semaphore, #tpu.memory_space<semaphore_mem>>) attributes {dimension_semantics = [#tpu.dimension_semantics<core_parallel>, #tpu.dimension_semantics<subcore_parallel>], iteration_bounds = array<i64: 2, 16>, scalar_prefetch = 0 : i64, scratch_operands = 12 : i64, tpu.core_type = #tpu.core_type<sc_vector_subcore>, window_params = [{transform_indices = #map}, {transform_indices = #map1}, {transform_indices = #map1}, {transform_indices = #map}, {transform_indices = #map}, {transform_indices = #map2}]} {
    %mul3A = arith.constant 2 : i32
    %mul3A_0 = arith.muli %arg1, %mul3A : i32
    %add3A = arith.addi %mul3A_0, %arg0 : i32
    %mul3A_1 = arith.constant 632 : i32
    %mul3A_2 = arith.muli %arg1, %mul3A_1 : i32
    %lt3A = arith.constant 15 : i32
    %lt3A_3 = arith.cmpi slt, %arg1, %lt3A : i32
    %convert_element_type3A = arith.extui %lt3A_3 : i1 to i32
    %cond3A = arith.constant 0 : i32
    %cond3A_4 = arith.cmpi ne, %convert_element_type3A, %cond3A : i32
    scf.if %cond3A_4 {
      "tpu.region"() ({
        %run_scoped3A = tpu.sem_alloc : memref<!tpu.dma_semaphore, #tpu.memory_space<semaphore_mem>>
        %dma_start3A_256 = arith.constant 0 : i32
        %dma_start3A_257 = tpu.memref_slice %arg13[%mul3A_2, %dma_start3A_256] : memref<10000x128xf32, #tpu.memory_space<vmem_shared>> -> memref<632x128xf32, #tpu.memory_space<vmem_shared>>
        %dma_start3A_258 = arith.constant 0 : i32
        %dma_start3A_259 = tpu.memref_slice %arg6[%mul3A_2, %dma_start3A_258] : memref<10000x128xf32, #tpu.memory_space<hbm>> -> memref<632x128xf32, #tpu.memory_space<hbm>>
        tpu.enqueue_dma source(%dma_start3A_259 : memref<632x128xf32, #tpu.memory_space<hbm>>) target(%dma_start3A_257 : memref<632x128xf32, #tpu.memory_space<vmem_shared>>) target_semaphore(%run_scoped3A : memref<!tpu.dma_semaphore, #tpu.memory_space<semaphore_mem>>)
        %dma_wait3A_260 = arith.constant 0 : i32
        %dma_wait3A_261 = tpu.memref_slice %arg13[%mul3A_2, %dma_wait3A_260] : memref<10000x128xf32, #tpu.memory_space<vmem_shared>> -> memref<632x128xf32, #tpu.memory_space<vmem_shared>>
        %dma_wait3A_262 = arith.constant 0 : i32
        %dma_wait3A_263 = tpu.memref_slice %arg6[%mul3A_2, %dma_wait3A_262] : memref<10000x128xf32, #tpu.memory_space<hbm>> -> memref<632x128xf32, #tpu.memory_space<hbm>>
        tpu.wait_dma2 semaphore(%run_scoped3A : memref<!tpu.dma_semaphore, #tpu.memory_space<semaphore_mem>>) src(%dma_wait3A_263 : memref<632x128xf32, #tpu.memory_space<hbm>>) dst(%dma_wait3A_261 : memref<632x128xf32, #tpu.memory_space<vmem_shared>>)
        tpu.yield
      }) : () -> ()
    } else {
    }
    %eq3A = arith.constant 15 : i32
    %eq3A_5 = arith.cmpi eq, %arg1, %eq3A : i32
    %convert_element_type3A_6 = arith.extui %eq3A_5 : i1 to i32
    %cond3A_7 = arith.constant 0 : i32
    %cond3A_8 = arith.cmpi ne, %convert_element_type3A_6, %cond3A_7 : i32
    scf.if %cond3A_8 {
      "tpu.region"() ({
        %run_scoped3A = tpu.sem_alloc : memref<!tpu.dma_semaphore, #tpu.memory_space<semaphore_mem>>
        %dma_start3A_256 = arith.constant 9480 : i32
        %dma_start3A_257 = arith.constant 0 : i32
        %dma_start3A_258 = tpu.memref_slice %arg13[%dma_start3A_256, %dma_start3A_257] : memref<10000x128xf32, #tpu.memory_space<vmem_shared>> -> memref<520x128xf32, #tpu.memory_space<vmem_shared>>
        %dma_start3A_259 = arith.constant 9480 : i32
        %dma_start3A_260 = arith.constant 0 : i32
        %dma_start3A_261 = tpu.memref_slice %arg6[%dma_start3A_259, %dma_start3A_260] : memref<10000x128xf32, #tpu.memory_space<hbm>> -> memref<520x128xf32, #tpu.memory_space<hbm>>
        tpu.enqueue_dma source(%dma_start3A_261 : memref<520x128xf32, #tpu.memory_space<hbm>>) target(%dma_start3A_258 : memref<520x128xf32, #tpu.memory_space<vmem_shared>>) target_semaphore(%run_scoped3A : memref<!tpu.dma_semaphore, #tpu.memory_space<semaphore_mem>>)
        %dma_wait3A_262 = arith.constant 9480 : i32
        %dma_wait3A_263 = arith.constant 0 : i32
        %dma_wait3A_264 = tpu.memref_slice %arg13[%dma_wait3A_262, %dma_wait3A_263] : memref<10000x128xf32, #tpu.memory_space<vmem_shared>> -> memref<520x128xf32, #tpu.memory_space<vmem_shared>>
        %dma_wait3A_265 = arith.constant 9480 : i32
        %dma_wait3A_266 = arith.constant 0 : i32
        %dma_wait3A_267 = tpu.memref_slice %arg6[%dma_wait3A_265, %dma_wait3A_266] : memref<10000x128xf32, #tpu.memory_space<hbm>> -> memref<520x128xf32, #tpu.memory_space<hbm>>
        tpu.wait_dma2 semaphore(%run_scoped3A : memref<!tpu.dma_semaphore, #tpu.memory_space<semaphore_mem>>) src(%dma_wait3A_267 : memref<520x128xf32, #tpu.memory_space<hbm>>) dst(%dma_wait3A_264 : memref<520x128xf32, #tpu.memory_space<vmem_shared>>)
        tpu.yield
      }) : () -> ()
    } else {
    }
    %barrier3A = arith.constant 0 : index
    tpu.barrier barrier_id(%barrier3A)
    %mul3A_9 = arith.constant 10000 : i32
    %mul3A_10 = arith.muli %add3A, %mul3A_9 : i32
    %add3A_11 = arith.constant 0 : i32
    %add3A_12 = arith.addi %mul3A_10, %add3A_11 : i32
    %dma_start3A = arith.constant 0 : i32
    %dma_start3A_13 = arith.constant 0 : i32
    %dma_start3A_14 = tpu.memref_slice %arg8[%dma_start3A, %dma_start3A_13] : memref<2x80xi32, #tpu.memory_space<vmem>> -> memref<1x80xi32, #tpu.memory_space<vmem>>
    %dma_start3A_15 = tpu.memref_squeeze %dma_start3A_14 : memref<1x80xi32, #tpu.memory_space<vmem>> -> memref<80xi32, #tpu.memory_space<vmem>>
    %dma_start3A_16 = tpu.memref_slice %arg3[%add3A_12] : memref<320000xi32, #tpu.memory_space<hbm>> -> memref<80xi32, #tpu.memory_space<hbm>>
    %dma_start3A_17 = arith.constant 0 : i32
    %dma_start3A_18 = tpu.memref_slice %arg8[%dma_start3A, %dma_start3A_17] : memref<2x80xi32, #tpu.memory_space<vmem>> -> memref<1x80xi32, #tpu.memory_space<vmem>>
    %dma_start3A_19 = tpu.memref_squeeze %dma_start3A_18 : memref<1x80xi32, #tpu.memory_space<vmem>> -> memref<80xi32, #tpu.memory_space<vmem>>
    %dma_start3A_20 = tpu.memref_slice %arg3[%add3A_12] : memref<320000xi32, #tpu.memory_space<hbm>> -> memref<80xi32, #tpu.memory_space<hbm>>
    tpu.enqueue_dma source(%dma_start3A_20 : memref<80xi32, #tpu.memory_space<hbm>>) target(%dma_start3A_19 : memref<80xi32, #tpu.memory_space<vmem>>) target_semaphore(%arg14 : memref<!tpu.dma_semaphore, #tpu.memory_space<semaphore_mem>>)
    %dma_start3A_21 = arith.constant 0 : i32
    %dma_start3A_22 = arith.constant 0 : i32
    %dma_start3A_23 = tpu.memref_slice %arg9[%dma_start3A_21, %dma_start3A_22] : memref<2x80xi32, #tpu.memory_space<vmem>> -> memref<1x80xi32, #tpu.memory_space<vmem>>
    %dma_start3A_24 = tpu.memref_squeeze %dma_start3A_23 : memref<1x80xi32, #tpu.memory_space<vmem>> -> memref<80xi32, #tpu.memory_space<vmem>>
    %dma_start3A_25 = tpu.memref_slice %arg4[%add3A_12] : memref<320000xi32, #tpu.memory_space<hbm>> -> memref<80xi32, #tpu.memory_space<hbm>>
    %dma_start3A_26 = arith.constant 0 : i32
    %dma_start3A_27 = tpu.memref_slice %arg9[%dma_start3A_21, %dma_start3A_26] : memref<2x80xi32, #tpu.memory_space<vmem>> -> memref<1x80xi32, #tpu.memory_space<vmem>>
    %dma_start3A_28 = tpu.memref_squeeze %dma_start3A_27 : memref<1x80xi32, #tpu.memory_space<vmem>> -> memref<80xi32, #tpu.memory_space<vmem>>
    %dma_start3A_29 = tpu.memref_slice %arg4[%add3A_12] : memref<320000xi32, #tpu.memory_space<hbm>> -> memref<80xi32, #tpu.memory_space<hbm>>
    tpu.enqueue_dma source(%dma_start3A_29 : memref<80xi32, #tpu.memory_space<hbm>>) target(%dma_start3A_28 : memref<80xi32, #tpu.memory_space<vmem>>) target_semaphore(%arg14 : memref<!tpu.dma_semaphore, #tpu.memory_space<semaphore_mem>>)
    %dma_start3A_30 = arith.constant 0 : i32
    %dma_start3A_31 = arith.constant 0 : i32
    %dma_start3A_32 = arith.constant 0 : i32
    %dma_start3A_33 = tpu.memref_slice %arg12[%dma_start3A_30, %dma_start3A_31, %dma_start3A_32] : memref<2x80x128xf32, #tpu.memory_space<vmem>> -> memref<1x80x128xf32, #tpu.memory_space<vmem>>
    %dma_start3A_34 = tpu.memref_squeeze %dma_start3A_33 : memref<1x80x128xf32, #tpu.memory_space<vmem>> -> memref<80x128xf32, #tpu.memory_space<vmem>>
    %dma_start3A_35 = arith.constant 0 : i32
    %dma_start3A_36 = tpu.memref_slice %arg5[%add3A_12, %dma_start3A_35] : memref<320000x128xf32, #tpu.memory_space<hbm>> -> memref<80x128xf32, #tpu.memory_space<hbm>>
    %dma_start3A_37 = arith.constant 0 : i32
    %dma_start3A_38 = arith.constant 0 : i32
    %dma_start3A_39 = tpu.memref_slice %arg12[%dma_start3A_30, %dma_start3A_37, %dma_start3A_38] : memref<2x80x128xf32, #tpu.memory_space<vmem>> -> memref<1x80x128xf32, #tpu.memory_space<vmem>>
    %dma_start3A_40 = tpu.memref_squeeze %dma_start3A_39 : memref<1x80x128xf32, #tpu.memory_space<vmem>> -> memref<80x128xf32, #tpu.memory_space<vmem>>
    %dma_start3A_41 = arith.constant 0 : i32
    %dma_start3A_42 = tpu.memref_slice %arg5[%add3A_12, %dma_start3A_41] : memref<320000x128xf32, #tpu.memory_space<hbm>> -> memref<80x128xf32, #tpu.memory_space<hbm>>
    tpu.enqueue_dma source(%dma_start3A_42 : memref<80x128xf32, #tpu.memory_space<hbm>>) target(%dma_start3A_40 : memref<80x128xf32, #tpu.memory_space<vmem>>) target_semaphore(%arg14 : memref<!tpu.dma_semaphore, #tpu.memory_space<semaphore_mem>>)
    %add3A_43 = arith.constant 80 : i32
    %add3A_44 = arith.addi %mul3A_10, %add3A_43 : i32
    %dma_start3A_45 = arith.constant 1 : i32
    %dma_start3A_46 = arith.constant 0 : i32
    %dma_start3A_47 = tpu.memref_slice %arg8[%dma_start3A_45, %dma_start3A_46] : memref<2x80xi32, #tpu.memory_space<vmem>> -> memref<1x80xi32, #tpu.memory_space<vmem>>
    %dma_start3A_48 = tpu.memref_squeeze %dma_start3A_47 : memref<1x80xi32, #tpu.memory_space<vmem>> -> memref<80xi32, #tpu.memory_space<vmem>>
    %dma_start3A_49 = tpu.memref_slice %arg3[%add3A_44] : memref<320000xi32, #tpu.memory_space<hbm>> -> memref<80xi32, #tpu.memory_space<hbm>>
    %dma_start3A_50 = arith.constant 0 : i32
    %dma_start3A_51 = tpu.memref_slice %arg8[%dma_start3A_45, %dma_start3A_50] : memref<2x80xi32, #tpu.memory_space<vmem>> -> memref<1x80xi32, #tpu.memory_space<vmem>>
    %dma_start3A_52 = tpu.memref_squeeze %dma_start3A_51 : memref<1x80xi32, #tpu.memory_space<vmem>> -> memref<80xi32, #tpu.memory_space<vmem>>
    %dma_start3A_53 = tpu.memref_slice %arg3[%add3A_44] : memref<320000xi32, #tpu.memory_space<hbm>> -> memref<80xi32, #tpu.memory_space<hbm>>
    tpu.enqueue_dma source(%dma_start3A_53 : memref<80xi32, #tpu.memory_space<hbm>>) target(%dma_start3A_52 : memref<80xi32, #tpu.memory_space<vmem>>) target_semaphore(%arg15 : memref<!tpu.dma_semaphore, #tpu.memory_space<semaphore_mem>>)
    %dma_start3A_54 = arith.constant 1 : i32
    %dma_start3A_55 = arith.constant 0 : i32
    %dma_start3A_56 = tpu.memref_slice %arg9[%dma_start3A_54, %dma_start3A_55] : memref<2x80xi32, #tpu.memory_space<vmem>> -> memref<1x80xi32, #tpu.memory_space<vmem>>
    %dma_start3A_57 = tpu.memref_squeeze %dma_start3A_56 : memref<1x80xi32, #tpu.memory_space<vmem>> -> memref<80xi32, #tpu.memory_space<vmem>>
    %dma_start3A_58 = tpu.memref_slice %arg4[%add3A_44] : memref<320000xi32, #tpu.memory_space<hbm>> -> memref<80xi32, #tpu.memory_space<hbm>>
    %dma_start3A_59 = arith.constant 0 : i32
    %dma_start3A_60 = tpu.memref_slice %arg9[%dma_start3A_54, %dma_start3A_59] : memref<2x80xi32, #tpu.memory_space<vmem>> -> memref<1x80xi32, #tpu.memory_space<vmem>>
    %dma_start3A_61 = tpu.memref_squeeze %dma_start3A_60 : memref<1x80xi32, #tpu.memory_space<vmem>> -> memref<80xi32, #tpu.memory_space<vmem>>
    %dma_start3A_62 = tpu.memref_slice %arg4[%add3A_44] : memref<320000xi32, #tpu.memory_space<hbm>> -> memref<80xi32, #tpu.memory_space<hbm>>
    tpu.enqueue_dma source(%dma_start3A_62 : memref<80xi32, #tpu.memory_space<hbm>>) target(%dma_start3A_61 : memref<80xi32, #tpu.memory_space<vmem>>) target_semaphore(%arg15 : memref<!tpu.dma_semaphore, #tpu.memory_space<semaphore_mem>>)
    %dma_start3A_63 = arith.constant 1 : i32
    %dma_start3A_64 = arith.constant 0 : i32
    %dma_start3A_65 = arith.constant 0 : i32
    %dma_start3A_66 = tpu.memref_slice %arg12[%dma_start3A_63, %dma_start3A_64, %dma_start3A_65] : memref<2x80x128xf32, #tpu.memory_space<vmem>> -> memref<1x80x128xf32, #tpu.memory_space<vmem>>
    %dma_start3A_67 = tpu.memref_squeeze %dma_start3A_66 : memref<1x80x128xf32, #tpu.memory_space<vmem>> -> memref<80x128xf32, #tpu.memory_space<vmem>>
    %dma_start3A_68 = arith.constant 0 : i32
    %dma_start3A_69 = tpu.memref_slice %arg5[%add3A_44, %dma_start3A_68] : memref<320000x128xf32, #tpu.memory_space<hbm>> -> memref<80x128xf32, #tpu.memory_space<hbm>>
    %dma_start3A_70 = arith.constant 0 : i32
    %dma_start3A_71 = arith.constant 0 : i32
    %dma_start3A_72 = tpu.memref_slice %arg12[%dma_start3A_63, %dma_start3A_70, %dma_start3A_71] : memref<2x80x128xf32, #tpu.memory_space<vmem>> -> memref<1x80x128xf32, #tpu.memory_space<vmem>>
    %dma_start3A_73 = tpu.memref_squeeze %dma_start3A_72 : memref<1x80x128xf32, #tpu.memory_space<vmem>> -> memref<80x128xf32, #tpu.memory_space<vmem>>
    %dma_start3A_74 = arith.constant 0 : i32
    %dma_start3A_75 = tpu.memref_slice %arg5[%add3A_44, %dma_start3A_74] : memref<320000x128xf32, #tpu.memory_space<hbm>> -> memref<80x128xf32, #tpu.memory_space<hbm>>
    tpu.enqueue_dma source(%dma_start3A_75 : memref<80x128xf32, #tpu.memory_space<hbm>>) target(%dma_start3A_73 : memref<80x128xf32, #tpu.memory_space<vmem>>) target_semaphore(%arg15 : memref<!tpu.dma_semaphore, #tpu.memory_space<semaphore_mem>>)
    %dma_wait3A = arith.constant 0 : i32
    %dma_wait3A_76 = arith.constant 0 : i32
    %dma_wait3A_77 = tpu.memref_slice %arg8[%dma_wait3A, %dma_wait3A_76] : memref<2x80xi32, #tpu.memory_space<vmem>> -> memref<1x80xi32, #tpu.memory_space<vmem>>
    %dma_wait3A_78 = tpu.memref_squeeze %dma_wait3A_77 : memref<1x80xi32, #tpu.memory_space<vmem>> -> memref<80xi32, #tpu.memory_space<vmem>>
    %dma_wait3A_79 = arith.constant 0 : i32
    %dma_wait3A_80 = tpu.memref_slice %arg3[%dma_wait3A_79] : memref<320000xi32, #tpu.memory_space<hbm>> -> memref<80xi32, #tpu.memory_space<hbm>>
    %dma_wait3A_81 = arith.constant 0 : i32
    %dma_wait3A_82 = tpu.memref_slice %arg8[%dma_wait3A, %dma_wait3A_81] : memref<2x80xi32, #tpu.memory_space<vmem>> -> memref<1x80xi32, #tpu.memory_space<vmem>>
    %dma_wait3A_83 = tpu.memref_squeeze %dma_wait3A_82 : memref<1x80xi32, #tpu.memory_space<vmem>> -> memref<80xi32, #tpu.memory_space<vmem>>
    %dma_wait3A_84 = arith.constant 0 : i32
    %dma_wait3A_85 = tpu.memref_slice %arg3[%dma_wait3A_84] : memref<320000xi32, #tpu.memory_space<hbm>> -> memref<80xi32, #tpu.memory_space<hbm>>
    tpu.wait_dma2 semaphore(%arg14 : memref<!tpu.dma_semaphore, #tpu.memory_space<semaphore_mem>>) src(%dma_wait3A_85 : memref<80xi32, #tpu.memory_space<hbm>>) dst(%dma_wait3A_83 : memref<80xi32, #tpu.memory_space<vmem>>)
    %dma_wait3A_86 = arith.constant 0 : i32
    %dma_wait3A_87 = arith.constant 0 : i32
    %dma_wait3A_88 = tpu.memref_slice %arg9[%dma_wait3A_86, %dma_wait3A_87] : memref<2x80xi32, #tpu.memory_space<vmem>> -> memref<1x80xi32, #tpu.memory_space<vmem>>
    %dma_wait3A_89 = tpu.memref_squeeze %dma_wait3A_88 : memref<1x80xi32, #tpu.memory_space<vmem>> -> memref<80xi32, #tpu.memory_space<vmem>>
    %dma_wait3A_90 = arith.constant 0 : i32
    %dma_wait3A_91 = tpu.memref_slice %arg4[%dma_wait3A_90] : memref<320000xi32, #tpu.memory_space<hbm>> -> memref<80xi32, #tpu.memory_space<hbm>>
    %dma_wait3A_92 = arith.constant 0 : i32
    %dma_wait3A_93 = tpu.memref_slice %arg9[%dma_wait3A_86, %dma_wait3A_92] : memref<2x80xi32, #tpu.memory_space<vmem>> -> memref<1x80xi32, #tpu.memory_space<vmem>>
    %dma_wait3A_94 = tpu.memref_squeeze %dma_wait3A_93 : memref<1x80xi32, #tpu.memory_space<vmem>> -> memref<80xi32, #tpu.memory_space<vmem>>
    %dma_wait3A_95 = arith.constant 0 : i32
    %dma_wait3A_96 = tpu.memref_slice %arg4[%dma_wait3A_95] : memref<320000xi32, #tpu.memory_space<hbm>> -> memref<80xi32, #tpu.memory_space<hbm>>
    tpu.wait_dma2 semaphore(%arg14 : memref<!tpu.dma_semaphore, #tpu.memory_space<semaphore_mem>>) src(%dma_wait3A_96 : memref<80xi32, #tpu.memory_space<hbm>>) dst(%dma_wait3A_94 : memref<80xi32, #tpu.memory_space<vmem>>)
    %dma_wait3A_97 = arith.constant 0 : i32
    %dma_wait3A_98 = arith.constant 0 : i32
    %dma_wait3A_99 = arith.constant 0 : i32
    %dma_wait3A_100 = tpu.memref_slice %arg12[%dma_wait3A_97, %dma_wait3A_98, %dma_wait3A_99] : memref<2x80x128xf32, #tpu.memory_space<vmem>> -> memref<1x80x128xf32, #tpu.memory_space<vmem>>
    %dma_wait3A_101 = tpu.memref_squeeze %dma_wait3A_100 : memref<1x80x128xf32, #tpu.memory_space<vmem>> -> memref<80x128xf32, #tpu.memory_space<vmem>>
    %dma_wait3A_102 = arith.constant 0 : i32
    %dma_wait3A_103 = arith.constant 0 : i32
    %dma_wait3A_104 = tpu.memref_slice %arg5[%dma_wait3A_102, %dma_wait3A_103] : memref<320000x128xf32, #tpu.memory_space<hbm>> -> memref<80x128xf32, #tpu.memory_space<hbm>>
    %dma_wait3A_105 = arith.constant 0 : i32
    %dma_wait3A_106 = arith.constant 0 : i32
    %dma_wait3A_107 = tpu.memref_slice %arg12[%dma_wait3A_97, %dma_wait3A_105, %dma_wait3A_106] : memref<2x80x128xf32, #tpu.memory_space<vmem>> -> memref<1x80x128xf32, #tpu.memory_space<vmem>>
    %dma_wait3A_108 = tpu.memref_squeeze %dma_wait3A_107 : memref<1x80x128xf32, #tpu.memory_space<vmem>> -> memref<80x128xf32, #tpu.memory_space<vmem>>
    %dma_wait3A_109 = arith.constant 0 : i32
    %dma_wait3A_110 = arith.constant 0 : i32
    %dma_wait3A_111 = tpu.memref_slice %arg5[%dma_wait3A_109, %dma_wait3A_110] : memref<320000x128xf32, #tpu.memory_space<hbm>> -> memref<80x128xf32, #tpu.memory_space<hbm>>
    tpu.wait_dma2 semaphore(%arg14 : memref<!tpu.dma_semaphore, #tpu.memory_space<semaphore_mem>>) src(%dma_wait3A_111 : memref<80x128xf32, #tpu.memory_space<hbm>>) dst(%dma_wait3A_108 : memref<80x128xf32, #tpu.memory_space<vmem>>)
    %dma_start3A_112 = arith.constant 0 : i32
    %dma_start3A_113 = arith.constant 0 : i32
    %dma_start3A_114 = arith.constant 0 : i32
    %dma_start3A_115 = arith.constant 0 : i32
    %dma_start3A_116 = tpu.memref_slice %arg11[%dma_start3A_113, %dma_start3A_114, %dma_start3A_115] : memref<2x80x128xf32, #tpu.memory_space<vmem>> -> memref<1x80x128xf32, #tpu.memory_space<vmem>>
    %dma_start3A_117 = tpu.memref_squeeze %dma_start3A_116 : memref<1x80x128xf32, #tpu.memory_space<vmem>> -> memref<80x128xf32, #tpu.memory_space<vmem>>
    %dma_start3A_118 = arith.constant 0 : i32
    %dma_start3A_119 = tpu.memref_slice %arg8[%dma_start3A_112, %dma_start3A_118] : memref<2x80xi32, #tpu.memory_space<vmem>> -> memref<1x80xi32, #tpu.memory_space<vmem>>
    %dma_start3A_120 = tpu.memref_squeeze %dma_start3A_119 : memref<1x80xi32, #tpu.memory_space<vmem>> -> memref<80xi32, #tpu.memory_space<vmem>>
    %dma_start3A_121 = arith.constant 0 : i32
    %dma_start3A_122 = arith.constant 0 : i32
    %dma_start3A_123 = tpu.memref_slice %arg2[%dma_start3A_121, %dma_start3A_122] : memref<10000x128xf32, #tpu.memory_space<hbm>> -> memref<10000x128xf32, #tpu.memory_space<hbm>>
    tpu.enqueue_indirect_dma source(%dma_start3A_123 : memref<10000x128xf32, #tpu.memory_space<hbm>>) target(%dma_start3A_117 : memref<80x128xf32, #tpu.memory_space<vmem>>) offsets(%dma_start3A_120 : memref<80xi32, #tpu.memory_space<vmem>>) semaphore(%arg16 : memref<!tpu.dma_semaphore, #tpu.memory_space<semaphore_mem>>)
    %scan3A = arith.constant 0 : i32
    %scan3A_124 = arith.constant 0 : i32
    %scan3A_125 = arith.constant 62 : i32
    %scan3A_126 = arith.addi %scan3A_124, %scan3A_125 : i32
    %scan3A_127 = arith.constant 1 : i32
    scf.for %scan3A_256 = %scan3A_124 to %scan3A_126 step %scan3A_127  : i32 {
      %mul3A_257 = arith.constant 2 : i32
      %mul3A_258 = arith.muli %mul3A_257, %scan3A_256 : i32
      %dma_wait3A_259 = arith.constant 0 : i32
      %dma_wait3A_260 = arith.constant 0 : i32
      %dma_wait3A_261 = arith.constant 0 : i32
      %dma_wait3A_262 = tpu.memref_slice %arg11[%dma_wait3A_259, %dma_wait3A_260, %dma_wait3A_261] : memref<2x80x128xf32, #tpu.memory_space<vmem>> -> memref<1x80x128xf32, #tpu.memory_space<vmem>>
      %dma_wait3A_263 = tpu.memref_squeeze %dma_wait3A_262 : memref<1x80x128xf32, #tpu.memory_space<vmem>> -> memref<80x128xf32, #tpu.memory_space<vmem>>
      %dma_wait3A_264 = arith.constant 0 : i32
      %dma_wait3A_265 = arith.constant 0 : i32
      %dma_wait3A_266 = tpu.memref_slice %arg2[%dma_wait3A_264, %dma_wait3A_265] : memref<10000x128xf32, #tpu.memory_space<hbm>> -> memref<80x128xf32, #tpu.memory_space<hbm>>
      %dma_wait3A_267 = arith.constant 0 : i32
      %dma_wait3A_268 = arith.constant 0 : i32
      %dma_wait3A_269 = tpu.memref_slice %arg11[%dma_wait3A_259, %dma_wait3A_267, %dma_wait3A_268] : memref<2x80x128xf32, #tpu.memory_space<vmem>> -> memref<1x80x128xf32, #tpu.memory_space<vmem>>
      %dma_wait3A_270 = tpu.memref_squeeze %dma_wait3A_269 : memref<1x80x128xf32, #tpu.memory_space<vmem>> -> memref<80x128xf32, #tpu.memory_space<vmem>>
      %dma_wait3A_271 = arith.constant 0 : i32
      %dma_wait3A_272 = arith.constant 0 : i32
      %dma_wait3A_273 = tpu.memref_slice %arg2[%dma_wait3A_271, %dma_wait3A_272] : memref<10000x128xf32, #tpu.memory_space<hbm>> -> memref<80x128xf32, #tpu.memory_space<hbm>>
      tpu.wait_dma2 semaphore(%arg16 : memref<!tpu.dma_semaphore, #tpu.memory_space<semaphore_mem>>) src(%dma_wait3A_273 : memref<80x128xf32, #tpu.memory_space<hbm>>) dst(%dma_wait3A_270 : memref<80x128xf32, #tpu.memory_space<vmem>>)
      %dma_wait3A_274 = arith.constant 1 : i32
      %dma_wait3A_275 = arith.constant 0 : i32
      %dma_wait3A_276 = tpu.memref_slice %arg8[%dma_wait3A_274, %dma_wait3A_275] : memref<2x80xi32, #tpu.memory_space<vmem>> -> memref<1x80xi32, #tpu.memory_space<vmem>>
      %dma_wait3A_277 = tpu.memref_squeeze %dma_wait3A_276 : memref<1x80xi32, #tpu.memory_space<vmem>> -> memref<80xi32, #tpu.memory_space<vmem>>
      %dma_wait3A_278 = arith.constant 0 : i32
      %dma_wait3A_279 = tpu.memref_slice %arg3[%dma_wait3A_278] : memref<320000xi32, #tpu.memory_space<hbm>> -> memref<80xi32, #tpu.memory_space<hbm>>
      %dma_wait3A_280 = arith.constant 0 : i32
      %dma_wait3A_281 = tpu.memref_slice %arg8[%dma_wait3A_274, %dma_wait3A_280] : memref<2x80xi32, #tpu.memory_space<vmem>> -> memref<1x80xi32, #tpu.memory_space<vmem>>
      %dma_wait3A_282 = tpu.memref_squeeze %dma_wait3A_281 : memref<1x80xi32, #tpu.memory_space<vmem>> -> memref<80xi32, #tpu.memory_space<vmem>>
      %dma_wait3A_283 = arith.constant 0 : i32
      %dma_wait3A_284 = tpu.memref_slice %arg3[%dma_wait3A_283] : memref<320000xi32, #tpu.memory_space<hbm>> -> memref<80xi32, #tpu.memory_space<hbm>>
      tpu.wait_dma2 semaphore(%arg15 : memref<!tpu.dma_semaphore, #tpu.memory_space<semaphore_mem>>) src(%dma_wait3A_284 : memref<80xi32, #tpu.memory_space<hbm>>) dst(%dma_wait3A_282 : memref<80xi32, #tpu.memory_space<vmem>>)
      %dma_wait3A_285 = arith.constant 1 : i32
      %dma_wait3A_286 = arith.constant 0 : i32
      %dma_wait3A_287 = tpu.memref_slice %arg9[%dma_wait3A_285, %dma_wait3A_286] : memref<2x80xi32, #tpu.memory_space<vmem>> -> memref<1x80xi32, #tpu.memory_space<vmem>>
      %dma_wait3A_288 = tpu.memref_squeeze %dma_wait3A_287 : memref<1x80xi32, #tpu.memory_space<vmem>> -> memref<80xi32, #tpu.memory_space<vmem>>
      %dma_wait3A_289 = arith.constant 0 : i32
      %dma_wait3A_290 = tpu.memref_slice %arg4[%dma_wait3A_289] : memref<320000xi32, #tpu.memory_space<hbm>> -> memref<80xi32, #tpu.memory_space<hbm>>
      %dma_wait3A_291 = arith.constant 0 : i32
      %dma_wait3A_292 = tpu.memref_slice %arg9[%dma_wait3A_285, %dma_wait3A_291] : memref<2x80xi32, #tpu.memory_space<vmem>> -> memref<1x80xi32, #tpu.memory_space<vmem>>
      %dma_wait3A_293 = tpu.memref_squeeze %dma_wait3A_292 : memref<1x80xi32, #tpu.memory_space<vmem>> -> memref<80xi32, #tpu.memory_space<vmem>>
      %dma_wait3A_294 = arith.constant 0 : i32
      %dma_wait3A_295 = tpu.memref_slice %arg4[%dma_wait3A_294] : memref<320000xi32, #tpu.memory_space<hbm>> -> memref<80xi32, #tpu.memory_space<hbm>>
      tpu.wait_dma2 semaphore(%arg15 : memref<!tpu.dma_semaphore, #tpu.memory_space<semaphore_mem>>) src(%dma_wait3A_295 : memref<80xi32, #tpu.memory_space<hbm>>) dst(%dma_wait3A_293 : memref<80xi32, #tpu.memory_space<vmem>>)
      %dma_wait3A_296 = arith.constant 1 : i32
      %dma_wait3A_297 = arith.constant 0 : i32
      %dma_wait3A_298 = arith.constant 0 : i32
      %dma_wait3A_299 = tpu.memref_slice %arg12[%dma_wait3A_296, %dma_wait3A_297, %dma_wait3A_298] : memref<2x80x128xf32, #tpu.memory_space<vmem>> -> memref<1x80x128xf32, #tpu.memory_space<vmem>>
      %dma_wait3A_300 = tpu.memref_squeeze %dma_wait3A_299 : memref<1x80x128xf32, #tpu.memory_space<vmem>> -> memref<80x128xf32, #tpu.memory_space<vmem>>
      %dma_wait3A_301 = arith.constant 0 : i32
      %dma_wait3A_302 = arith.constant 0 : i32
      %dma_wait3A_303 = tpu.memref_slice %arg5[%dma_wait3A_301, %dma_wait3A_302] : memref<320000x128xf32, #tpu.memory_space<hbm>> -> memref<80x128xf32, #tpu.memory_space<hbm>>
      %dma_wait3A_304 = arith.constant 0 : i32
      %dma_wait3A_305 = arith.constant 0 : i32
      %dma_wait3A_306 = tpu.memref_slice %arg12[%dma_wait3A_296, %dma_wait3A_304, %dma_wait3A_305] : memref<2x80x128xf32, #tpu.memory_space<vmem>> -> memref<1x80x128xf32, #tpu.memory_space<vmem>>
      %dma_wait3A_307 = tpu.memref_squeeze %dma_wait3A_306 : memref<1x80x128xf32, #tpu.memory_space<vmem>> -> memref<80x128xf32, #tpu.memory_space<vmem>>
      %dma_wait3A_308 = arith.constant 0 : i32
      %dma_wait3A_309 = arith.constant 0 : i32
      %dma_wait3A_310 = tpu.memref_slice %arg5[%dma_wait3A_308, %dma_wait3A_309] : memref<320000x128xf32, #tpu.memory_space<hbm>> -> memref<80x128xf32, #tpu.memory_space<hbm>>
      tpu.wait_dma2 semaphore(%arg15 : memref<!tpu.dma_semaphore, #tpu.memory_space<semaphore_mem>>) src(%dma_wait3A_310 : memref<80x128xf32, #tpu.memory_space<hbm>>) dst(%dma_wait3A_307 : memref<80x128xf32, #tpu.memory_space<vmem>>)
      %gt3A = arith.constant 0 : i32
      %gt3A_311 = arith.cmpi sgt, %scan3A_256, %gt3A : i32
      %convert_element_type3A_312 = arith.extui %gt3A_311 : i1 to i32
      %cond3A_313 = arith.constant 0 : i32
      %cond3A_314 = arith.cmpi ne, %convert_element_type3A_312, %cond3A_313 : i32
      scf.if %cond3A_314 {
        %dma_wait3A_524 = arith.constant 1 : i32
        %dma_wait3A_525 = arith.constant 0 : i32
        %dma_wait3A_526 = arith.constant 0 : i32
        %dma_wait3A_527 = tpu.memref_slice %arg11[%dma_wait3A_524, %dma_wait3A_525, %dma_wait3A_526] : memref<2x80x128xf32, #tpu.memory_space<vmem>> -> memref<1x80x128xf32, #tpu.memory_space<vmem>>
        %dma_wait3A_528 = tpu.memref_squeeze %dma_wait3A_527 : memref<1x80x128xf32, #tpu.memory_space<vmem>> -> memref<80x128xf32, #tpu.memory_space<vmem>>
        %dma_wait3A_529 = arith.constant 0 : i32
        %dma_wait3A_530 = arith.constant 0 : i32
        %dma_wait3A_531 = tpu.memref_slice %arg2[%dma_wait3A_529, %dma_wait3A_530] : memref<10000x128xf32, #tpu.memory_space<hbm>> -> memref<80x128xf32, #tpu.memory_space<hbm>>
        %dma_wait3A_532 = arith.constant 0 : i32
        %dma_wait3A_533 = arith.constant 0 : i32
        %dma_wait3A_534 = tpu.memref_slice %arg11[%dma_wait3A_524, %dma_wait3A_532, %dma_wait3A_533] : memref<2x80x128xf32, #tpu.memory_space<vmem>> -> memref<1x80x128xf32, #tpu.memory_space<vmem>>
        %dma_wait3A_535 = tpu.memref_squeeze %dma_wait3A_534 : memref<1x80x128xf32, #tpu.memory_space<vmem>> -> memref<80x128xf32, #tpu.memory_space<vmem>>
        %dma_wait3A_536 = arith.constant 0 : i32
        %dma_wait3A_537 = arith.constant 0 : i32
        %dma_wait3A_538 = tpu.memref_slice %arg2[%dma_wait3A_536, %dma_wait3A_537] : memref<10000x128xf32, #tpu.memory_space<hbm>> -> memref<80x128xf32, #tpu.memory_space<hbm>>
        tpu.wait_dma2 semaphore(%arg19 : memref<!tpu.dma_semaphore, #tpu.memory_space<semaphore_mem>>) src(%dma_wait3A_538 : memref<80x128xf32, #tpu.memory_space<hbm>>) dst(%dma_wait3A_535 : memref<80x128xf32, #tpu.memory_space<vmem>>)
      } else {
      }
      %dma_start3A_315 = arith.constant 1 : i32
      %dma_start3A_316 = arith.constant 1 : i32
      %dma_start3A_317 = arith.constant 0 : i32
      %dma_start3A_318 = arith.constant 0 : i32
      %dma_start3A_319 = tpu.memref_slice %arg11[%dma_start3A_316, %dma_start3A_317, %dma_start3A_318] : memref<2x80x128xf32, #tpu.memory_space<vmem>> -> memref<1x80x128xf32, #tpu.memory_space<vmem>>
      %dma_start3A_320 = tpu.memref_squeeze %dma_start3A_319 : memref<1x80x128xf32, #tpu.memory_space<vmem>> -> memref<80x128xf32, #tpu.memory_space<vmem>>
      %dma_start3A_321 = arith.constant 0 : i32
      %dma_start3A_322 = tpu.memref_slice %arg8[%dma_start3A_315, %dma_start3A_321] : memref<2x80xi32, #tpu.memory_space<vmem>> -> memref<1x80xi32, #tpu.memory_space<vmem>>
      %dma_start3A_323 = tpu.memref_squeeze %dma_start3A_322 : memref<1x80xi32, #tpu.memory_space<vmem>> -> memref<80xi32, #tpu.memory_space<vmem>>
      %dma_start3A_324 = arith.constant 0 : i32
      %dma_start3A_325 = arith.constant 0 : i32
      %dma_start3A_326 = tpu.memref_slice %arg2[%dma_start3A_324, %dma_start3A_325] : memref<10000x128xf32, #tpu.memory_space<hbm>> -> memref<10000x128xf32, #tpu.memory_space<hbm>>
      tpu.enqueue_indirect_dma source(%dma_start3A_326 : memref<10000x128xf32, #tpu.memory_space<hbm>>) target(%dma_start3A_320 : memref<80x128xf32, #tpu.memory_space<vmem>>) offsets(%dma_start3A_323 : memref<80xi32, #tpu.memory_space<vmem>>) semaphore(%arg17 : memref<!tpu.dma_semaphore, #tpu.memory_space<semaphore_mem>>)
      %scan3A_327 = arith.constant 0 : i32
      %scan3A_328 = arith.constant 0 : i32
      %scan3A_329 = arith.constant 80 : i32
      %scan3A_330 = arith.addi %scan3A_328, %scan3A_329 : i32
      %scan3A_331 = arith.constant 1 : i32
      scf.for %scan3A_524 = %scan3A_328 to %scan3A_330 step %scan3A_331  : i32 {
        %get3A_525 = arith.constant 0 : i32
        %get3A_526 = arith.index_cast %get3A_525 : i32 to index
        %get3A_527 = arith.index_cast %scan3A_524 : i32 to index
        %get3A_528 = arith.constant 0 : index
        %get3A_529 = tpu.vector_load %arg11[%get3A_526, %get3A_527, %get3A_528] {strides = array<i32>} : memref<2x80x128xf32, #tpu.memory_space<vmem>>, vector<1x1x16xf32>,
        %get3A_530 = vector.shape_cast %get3A_529 : vector<1x1x16xf32> to vector<16xf32>
        %get3A_531 = arith.constant 0 : i32
        %get3A_532 = arith.index_cast %get3A_531 : i32 to index
        %get3A_533 = arith.index_cast %scan3A_524 : i32 to index
        %get3A_534 = arith.constant 0 : index
        %get3A_535 = tpu.vector_load %arg12[%get3A_532, %get3A_533, %get3A_534] {strides = array<i32>} : memref<2x80x128xf32, #tpu.memory_space<vmem>>, vector<1x1x16xf32>,
        %get3A_536 = vector.shape_cast %get3A_535 : vector<1x1x16xf32> to vector<16xf32>
        %add3A_537 = arith.addf %get3A_530, %get3A_536 : vector<16xf32>
        %max3A = arith.constant 0.000000e+00 : f32
        %max3A_538 = vector.broadcast %max3A : f32 to vector<16xf32>
        %max3A_539 = arith.maximumf %add3A_537, %max3A_538 : vector<16xf32>
        %swap3A_540 = arith.constant 0 : i32
        %swap3A_541 = arith.index_cast %swap3A_540 : i32 to index
        %swap3A_542 = arith.index_cast %scan3A_524 : i32 to index
        %swap3A_543 = arith.constant 0 : index
        %swap3A_544 = tpu.vector_load %arg11[%swap3A_541, %swap3A_542, %swap3A_543] {strides = array<i32>} : memref<2x80x128xf32, #tpu.memory_space<vmem>>, vector<1x1x16xf32>,
        %swap3A_545 = vector.shape_cast %swap3A_544 : vector<1x1x16xf32> to vector<16xf32>
        %swap3A_546 = vector.shape_cast %max3A_539 : vector<16xf32> to vector<1x1x16xf32>
        tpu.vector_store %arg11[%swap3A_541, %swap3A_542, %swap3A_543], %swap3A_546 {strides = array<i32>} : memref<2x80x128xf32, #tpu.memory_space<vmem>>, vector<1x1x16xf32>,
        %get3A_547 = arith.constant 0 : i32
        %get3A_548 = arith.index_cast %get3A_547 : i32 to index
        %get3A_549 = arith.index_cast %scan3A_524 : i32 to index
        %get3A_550 = arith.constant 16 : index
        %get3A_551 = tpu.vector_load %arg11[%get3A_548, %get3A_549, %get3A_550] {strides = array<i32>} : memref<2x80x128xf32, #tpu.memory_space<vmem>>, vector<1x1x16xf32>,
        %get3A_552 = vector.shape_cast %get3A_551 : vector<1x1x16xf32> to vector<16xf32>
        %get3A_553 = arith.constant 0 : i32
        %get3A_554 = arith.index_cast %get3A_553 : i32 to index
        %get3A_555 = arith.index_cast %scan3A_524 : i32 to index
        %get3A_556 = arith.constant 16 : index
        %get3A_557 = tpu.vector_load %arg12[%get3A_554, %get3A_555, %get3A_556] {strides = array<i32>} : memref<2x80x128xf32, #tpu.memory_space<vmem>>, vector<1x1x16xf32>,
        %get3A_558 = vector.shape_cast %get3A_557 : vector<1x1x16xf32> to vector<16xf32>
        %add3A_559 = arith.addf %get3A_552, %get3A_558 : vector<16xf32>
        %max3A_560 = arith.constant 0.000000e+00 : f32
        %max3A_561 = vector.broadcast %max3A_560 : f32 to vector<16xf32>
        %max3A_562 = arith.maximumf %add3A_559, %max3A_561 : vector<16xf32>
        %swap3A_563 = arith.constant 0 : i32
        %swap3A_564 = arith.index_cast %swap3A_563 : i32 to index
        %swap3A_565 = arith.index_cast %scan3A_524 : i32 to index
        %swap3A_566 = arith.constant 16 : index
        %swap3A_567 = tpu.vector_load %arg11[%swap3A_564, %swap3A_565, %swap3A_566] {strides = array<i32>} : memref<2x80x128xf32, #tpu.memory_space<vmem>>, vector<1x1x16xf32>,
        %swap3A_568 = vector.shape_cast %swap3A_567 : vector<1x1x16xf32> to vector<16xf32>
        %swap3A_569 = vector.shape_cast %max3A_562 : vector<16xf32> to vector<1x1x16xf32>
        tpu.vector_store %arg11[%swap3A_564, %swap3A_565, %swap3A_566], %swap3A_569 {strides = array<i32>} : memref<2x80x128xf32, #tpu.memory_space<vmem>>, vector<1x1x16xf32>,
        %get3A_570 = arith.constant 0 : i32
        %get3A_571 = arith.index_cast %get3A_570 : i32 to index
        %get3A_572 = arith.index_cast %scan3A_524 : i32 to index
        %get3A_573 = arith.constant 32 : index
        %get3A_574 = tpu.vector_load %arg11[%get3A_571, %get3A_572, %get3A_573] {strides = array<i32>} : memref<2x80x128xf32, #tpu.memory_space<vmem>>, vector<1x1x16xf32>,
        %get3A_575 = vector.shape_cast %get3A_574 : vector<1x1x16xf32> to vector<16xf32>
        %get3A_576 = arith.constant 0 : i32
        %get3A_577 = arith.index_cast %get3A_576 : i32 to index
        %get3A_578 = arith.index_cast %scan3A_524 : i32 to index
        %get3A_579 = arith.constant 32 : index
        %get3A_580 = tpu.vector_load %arg12[%get3A_577, %get3A_578, %get3A_579] {strides = array<i32>} : memref<2x80x128xf32, #tpu.memory_space<vmem>>, vector<1x1x16xf32>,
        %get3A_581 = vector.shape_cast %get3A_580 : vector<1x1x16xf32> to vector<16xf32>
        %add3A_582 = arith.addf %get3A_575, %get3A_581 : vector<16xf32>
        %max3A_583 = arith.constant 0.000000e+00 : f32
        %max3A_584 = vector.broadcast %max3A_583 : f32 to vector<16xf32>
        %max3A_585 = arith.maximumf %add3A_582, %max3A_584 : vector<16xf32>
        %swap3A_586 = arith.constant 0 : i32
        %swap3A_587 = arith.index_cast %swap3A_586 : i32 to index
        %swap3A_588 = arith.index_cast %scan3A_524 : i32 to index
        %swap3A_589 = arith.constant 32 : index
        %swap3A_590 = tpu.vector_load %arg11[%swap3A_587, %swap3A_588, %swap3A_589] {strides = array<i32>} : memref<2x80x128xf32, #tpu.memory_space<vmem>>, vector<1x1x16xf32>,
        %swap3A_591 = vector.shape_cast %swap3A_590 : vector<1x1x16xf32> to vector<16xf32>
        %swap3A_592 = vector.shape_cast %max3A_585 : vector<16xf32> to vector<1x1x16xf32>
        tpu.vector_store %arg11[%swap3A_587, %swap3A_588, %swap3A_589], %swap3A_592 {strides = array<i32>} : memref<2x80x128xf32, #tpu.memory_space<vmem>>, vector<1x1x16xf32>,
        %get3A_593 = arith.constant 0 : i32
        %get3A_594 = arith.index_cast %get3A_593 : i32 to index
        %get3A_595 = arith.index_cast %scan3A_524 : i32 to index
        %get3A_596 = arith.constant 48 : index
        %get3A_597 = tpu.vector_load %arg11[%get3A_594, %get3A_595, %get3A_596] {strides = array<i32>} : memref<2x80x128xf32, #tpu.memory_space<vmem>>, vector<1x1x16xf32>,
        %get3A_598 = vector.shape_cast %get3A_597 : vector<1x1x16xf32> to vector<16xf32>
        %get3A_599 = arith.constant 0 : i32
        %get3A_600 = arith.index_cast %get3A_599 : i32 to index
        %get3A_601 = arith.index_cast %scan3A_524 : i32 to index
        %get3A_602 = arith.constant 48 : index
        %get3A_603 = tpu.vector_load %arg12[%get3A_600, %get3A_601, %get3A_602] {strides = array<i32>} : memref<2x80x128xf32, #tpu.memory_space<vmem>>, vector<1x1x16xf32>,
        %get3A_604 = vector.shape_cast %get3A_603 : vector<1x1x16xf32> to vector<16xf32>
        %add3A_605 = arith.addf %get3A_598, %get3A_604 : vector<16xf32>
        %max3A_606 = arith.constant 0.000000e+00 : f32
        %max3A_607 = vector.broadcast %max3A_606 : f32 to vector<16xf32>
        %max3A_608 = arith.maximumf %add3A_605, %max3A_607 : vector<16xf32>
        %swap3A_609 = arith.constant 0 : i32
        %swap3A_610 = arith.index_cast %swap3A_609 : i32 to index
        %swap3A_611 = arith.index_cast %scan3A_524 : i32 to index
        %swap3A_612 = arith.constant 48 : index
        %swap3A_613 = tpu.vector_load %arg11[%swap3A_610, %swap3A_611, %swap3A_612] {strides = array<i32>} : memref<2x80x128xf32, #tpu.memory_space<vmem>>, vector<1x1x16xf32>,
        %swap3A_614 = vector.shape_cast %swap3A_613 : vector<1x1x16xf32> to vector<16xf32>
        %swap3A_615 = vector.shape_cast %max3A_608 : vector<16xf32> to vector<1x1x16xf32>
        tpu.vector_store %arg11[%swap3A_610, %swap3A_611, %swap3A_612], %swap3A_615 {strides = array<i32>} : memref<2x80x128xf32, #tpu.memory_space<vmem>>, vector<1x1x16xf32>,
        %get3A_616 = arith.constant 0 : i32
        %get3A_617 = arith.index_cast %get3A_616 : i32 to index
        %get3A_618 = arith.index_cast %scan3A_524 : i32 to index
        %get3A_619 = arith.constant 64 : index
        %get3A_620 = tpu.vector_load %arg11[%get3A_617, %get3A_618, %get3A_619] {strides = array<i32>} : memref<2x80x128xf32, #tpu.memory_space<vmem>>, vector<1x1x16xf32>,
        %get3A_621 = vector.shape_cast %get3A_620 : vector<1x1x16xf32> to vector<16xf32>
        %get3A_622 = arith.constant 0 : i32
        %get3A_623 = arith.index_cast %get3A_622 : i32 to index
        %get3A_624 = arith.index_cast %scan3A_524 : i32 to index
        %get3A_625 = arith.constant 64 : index
        %get3A_626 = tpu.vector_load %arg12[%get3A_623, %get3A_624, %get3A_625] {strides = array<i32>} : memref<2x80x128xf32, #tpu.memory_space<vmem>>, vector<1x1x16xf32>,
        %get3A_627 = vector.shape_cast %get3A_626 : vector<1x1x16xf32> to vector<16xf32>
        %add3A_628 = arith.addf %get3A_621, %get3A_627 : vector<16xf32>
        %max3A_629 = arith.constant 0.000000e+00 : f32
        %max3A_630 = vector.broadcast %max3A_629 : f32 to vector<16xf32>
        %max3A_631 = arith.maximumf %add3A_628, %max3A_630 : vector<16xf32>
        %swap3A_632 = arith.constant 0 : i32
        %swap3A_633 = arith.index_cast %swap3A_632 : i32 to index
        %swap3A_634 = arith.index_cast %scan3A_524 : i32 to index
        %swap3A_635 = arith.constant 64 : index
        %swap3A_636 = tpu.vector_load %arg11[%swap3A_633, %swap3A_634, %swap3A_635] {strides = array<i32>} : memref<2x80x128xf32, #tpu.memory_space<vmem>>, vector<1x1x16xf32>,
        %swap3A_637 = vector.shape_cast %swap3A_636 : vector<1x1x16xf32> to vector<16xf32>
        %swap3A_638 = vector.shape_cast %max3A_631 : vector<16xf32> to vector<1x1x16xf32>
        tpu.vector_store %arg11[%swap3A_633, %swap3A_634, %swap3A_635], %swap3A_638 {strides = array<i32>} : memref<2x80x128xf32, #tpu.memory_space<vmem>>, vector<1x1x16xf32>,
        %get3A_639 = arith.constant 0 : i32
        %get3A_640 = arith.index_cast %get3A_639 : i32 to index
        %get3A_641 = arith.index_cast %scan3A_524 : i32 to index
        %get3A_642 = arith.constant 80 : index
        %get3A_643 = tpu.vector_load %arg11[%get3A_640, %get3A_641, %get3A_642] {strides = array<i32>} : memref<2x80x128xf32, #tpu.memory_space<vmem>>, vector<1x1x16xf32>,
        %get3A_644 = vector.shape_cast %get3A_643 : vector<1x1x16xf32> to vector<16xf32>
        %get3A_645 = arith.constant 0 : i32
        %get3A_646 = arith.index_cast %get3A_645 : i32 to index
        %get3A_647 = arith.index_cast %scan3A_524 : i32 to index
        %get3A_648 = arith.constant 80 : index
        %get3A_649 = tpu.vector_load %arg12[%get3A_646, %get3A_647, %get3A_648] {strides = array<i32>} : memref<2x80x128xf32, #tpu.memory_space<vmem>>, vector<1x1x16xf32>,
        %get3A_650 = vector.shape_cast %get3A_649 : vector<1x1x16xf32> to vector<16xf32>
        %add3A_651 = arith.addf %get3A_644, %get3A_650 : vector<16xf32>
        %max3A_652 = arith.constant 0.000000e+00 : f32
        %max3A_653 = vector.broadcast %max3A_652 : f32 to vector<16xf32>
        %max3A_654 = arith.maximumf %add3A_651, %max3A_653 : vector<16xf32>
        %swap3A_655 = arith.constant 0 : i32
        %swap3A_656 = arith.index_cast %swap3A_655 : i32 to index
        %swap3A_657 = arith.index_cast %scan3A_524 : i32 to index
        %swap3A_658 = arith.constant 80 : index
        %swap3A_659 = tpu.vector_load %arg11[%swap3A_656, %swap3A_657, %swap3A_658] {strides = array<i32>} : memref<2x80x128xf32, #tpu.memory_space<vmem>>, vector<1x1x16xf32>,
        %swap3A_660 = vector.shape_cast %swap3A_659 : vector<1x1x16xf32> to vector<16xf32>
        %swap3A_661 = vector.shape_cast %max3A_654 : vector<16xf32> to vector<1x1x16xf32>
        tpu.vector_store %arg11[%swap3A_656, %swap3A_657, %swap3A_658], %swap3A_661 {strides = array<i32>} : memref<2x80x128xf32, #tpu.memory_space<vmem>>, vector<1x1x16xf32>,
        %get3A_662 = arith.constant 0 : i32
        %get3A_663 = arith.index_cast %get3A_662 : i32 to index
        %get3A_664 = arith.index_cast %scan3A_524 : i32 to index
        %get3A_665 = arith.constant 96 : index
        %get3A_666 = tpu.vector_load %arg11[%get3A_663, %get3A_664, %get3A_665] {strides = array<i32>} : memref<2x80x128xf32, #tpu.memory_space<vmem>>, vector<1x1x16xf32>,
        %get3A_667 = vector.shape_cast %get3A_666 : vector<1x1x16xf32> to vector<16xf32>
        %get3A_668 = arith.constant 0 : i32
        %get3A_669 = arith.index_cast %get3A_668 : i32 to index
        %get3A_670 = arith.index_cast %scan3A_524 : i32 to index
        %get3A_671 = arith.constant 96 : index
        %get3A_672 = tpu.vector_load %arg12[%get3A_669, %get3A_670, %get3A_671] {strides = array<i32>} : memref<2x80x128xf32, #tpu.memory_space<vmem>>, vector<1x1x16xf32>,
        %get3A_673 = vector.shape_cast %get3A_672 : vector<1x1x16xf32> to vector<16xf32>
        %add3A_674 = arith.addf %get3A_667, %get3A_673 : vector<16xf32>
        %max3A_675 = arith.constant 0.000000e+00 : f32
        %max3A_676 = vector.broadcast %max3A_675 : f32 to vector<16xf32>
        %max3A_677 = arith.maximumf %add3A_674, %max3A_676 : vector<16xf32>
        %swap3A_678 = arith.constant 0 : i32
        %swap3A_679 = arith.index_cast %swap3A_678 : i32 to index
        %swap3A_680 = arith.index_cast %scan3A_524 : i32 to index
        %swap3A_681 = arith.constant 96 : index
        %swap3A_682 = tpu.vector_load %arg11[%swap3A_679, %swap3A_680, %swap3A_681] {strides = array<i32>} : memref<2x80x128xf32, #tpu.memory_space<vmem>>, vector<1x1x16xf32>,
        %swap3A_683 = vector.shape_cast %swap3A_682 : vector<1x1x16xf32> to vector<16xf32>
        %swap3A_684 = vector.shape_cast %max3A_677 : vector<16xf32> to vector<1x1x16xf32>
        tpu.vector_store %arg11[%swap3A_679, %swap3A_680, %swap3A_681], %swap3A_684 {strides = array<i32>} : memref<2x80x128xf32, #tpu.memory_space<vmem>>, vector<1x1x16xf32>,
        %get3A_685 = arith.constant 0 : i32
        %get3A_686 = arith.index_cast %get3A_685 : i32 to index
        %get3A_687 = arith.index_cast %scan3A_524 : i32 to index
        %get3A_688 = arith.constant 112 : index
        %get3A_689 = tpu.vector_load %arg11[%get3A_686, %get3A_687, %get3A_688] {strides = array<i32>} : memref<2x80x128xf32, #tpu.memory_space<vmem>>, vector<1x1x16xf32>,
        %get3A_690 = vector.shape_cast %get3A_689 : vector<1x1x16xf32> to vector<16xf32>
        %get3A_691 = arith.constant 0 : i32
        %get3A_692 = arith.index_cast %get3A_691 : i32 to index
        %get3A_693 = arith.index_cast %scan3A_524 : i32 to index
        %get3A_694 = arith.constant 112 : index
        %get3A_695 = tpu.vector_load %arg12[%get3A_692, %get3A_693, %get3A_694] {strides = array<i32>} : memref<2x80x128xf32, #tpu.memory_space<vmem>>, vector<1x1x16xf32>,
        %get3A_696 = vector.shape_cast %get3A_695 : vector<1x1x16xf32> to vector<16xf32>
        %add3A_697 = arith.addf %get3A_690, %get3A_696 : vector<16xf32>
        %max3A_698 = arith.constant 0.000000e+00 : f32
        %max3A_699 = vector.broadcast %max3A_698 : f32 to vector<16xf32>
        %max3A_700 = arith.maximumf %add3A_697, %max3A_699 : vector<16xf32>
        %swap3A_701 = arith.constant 0 : i32
        %swap3A_702 = arith.index_cast %swap3A_701 : i32 to index
        %swap3A_703 = arith.index_cast %scan3A_524 : i32 to index
        %swap3A_704 = arith.constant 112 : index
        %swap3A_705 = tpu.vector_load %arg11[%swap3A_702, %swap3A_703, %swap3A_704] {strides = array<i32>} : memref<2x80x128xf32, #tpu.memory_space<vmem>>, vector<1x1x16xf32>,
        %swap3A_706 = vector.shape_cast %swap3A_705 : vector<1x1x16xf32> to vector<16xf32>
        %swap3A_707 = vector.shape_cast %max3A_700 : vector<16xf32> to vector<1x1x16xf32>
        tpu.vector_store %arg11[%swap3A_702, %swap3A_703, %swap3A_704], %swap3A_707 {strides = array<i32>} : memref<2x80x128xf32, #tpu.memory_space<vmem>>, vector<1x1x16xf32>,
      }
      %scan3A_332 = arith.constant 80 : i32
      %get3A_333 = arith.constant 0 : i32
      %get3A_334 = arith.index_cast %get3A_333 : i32 to index
      %get3A_335 = arith.constant 0 : index
      %get3A_336 = tpu.vector_load %arg9[%get3A_334, %get3A_335] {strides = array<i32>} : memref<2x80xi32, #tpu.memory_space<vmem>>, vector<1x16xi32>,
      %get3A_337 = vector.shape_cast %get3A_336 : vector<1x16xi32> to vector<16xi32>
      %swap3A_338 = arith.constant 0 : i32
      %swap3A_339 = arith.index_cast %swap3A_338 : i32 to index
      %swap3A_340 = arith.constant 0 : index
      %swap3A_341 = tpu.vector_load %arg10[%swap3A_339, %swap3A_340] {strides = array<i32>} : memref<2x80xi32, #tpu.memory_space<vmem>>, vector<1x16xi32>,
      %swap3A_342 = vector.shape_cast %swap3A_341 : vector<1x16xi32> to vector<16xi32>
      %swap3A_343 = vector.shape_cast %get3A_337 : vector<16xi32> to vector<1x16xi32>
      tpu.vector_store %arg10[%swap3A_339, %swap3A_340], %swap3A_343 {strides = array<i32>} : memref<2x80xi32, #tpu.memory_space<vmem>>, vector<1x16xi32>,
      %get3A_344 = arith.constant 0 : i32
      %get3A_345 = arith.index_cast %get3A_344 : i32 to index
      %get3A_346 = arith.constant 16 : index
      %get3A_347 = tpu.vector_load %arg9[%get3A_345, %get3A_346] {strides = array<i32>} : memref<2x80xi32, #tpu.memory_space<vmem>>, vector<1x16xi32>,
      %get3A_348 = vector.shape_cast %get3A_347 : vector<1x16xi32> to vector<16xi32>
      %swap3A_349 = arith.constant 0 : i32
      %swap3A_350 = arith.index_cast %swap3A_349 : i32 to index
      %swap3A_351 = arith.constant 16 : index
      %swap3A_352 = tpu.vector_load %arg10[%swap3A_350, %swap3A_351] {strides = array<i32>} : memref<2x80xi32, #tpu.memory_space<vmem>>, vector<1x16xi32>,
      %swap3A_353 = vector.shape_cast %swap3A_352 : vector<1x16xi32> to vector<16xi32>
      %swap3A_354 = vector.shape_cast %get3A_348 : vector<16xi32> to vector<1x16xi32>
      tpu.vector_store %arg10[%swap3A_350, %swap3A_351], %swap3A_354 {strides = array<i32>} : memref<2x80xi32, #tpu.memory_space<vmem>>, vector<1x16xi32>,
      %get3A_355 = arith.constant 0 : i32
      %get3A_356 = arith.index_cast %get3A_355 : i32 to index
      %get3A_357 = arith.constant 32 : index
      %get3A_358 = tpu.vector_load %arg9[%get3A_356, %get3A_357] {strides = array<i32>} : memref<2x80xi32, #tpu.memory_space<vmem>>, vector<1x16xi32>,
      %get3A_359 = vector.shape_cast %get3A_358 : vector<1x16xi32> to vector<16xi32>
      %swap3A_360 = arith.constant 0 : i32
      %swap3A_361 = arith.index_cast %swap3A_360 : i32 to index
      %swap3A_362 = arith.constant 32 : index
      %swap3A_363 = tpu.vector_load %arg10[%swap3A_361, %swap3A_362] {strides = array<i32>} : memref<2x80xi32, #tpu.memory_space<vmem>>, vector<1x16xi32>,
      %swap3A_364 = vector.shape_cast %swap3A_363 : vector<1x16xi32> to vector<16xi32>
      %swap3A_365 = vector.shape_cast %get3A_359 : vector<16xi32> to vector<1x16xi32>
      tpu.vector_store %arg10[%swap3A_361, %swap3A_362], %swap3A_365 {strides = array<i32>} : memref<2x80xi32, #tpu.memory_space<vmem>>, vector<1x16xi32>,
      %get3A_366 = arith.constant 0 : i32
      %get3A_367 = arith.index_cast %get3A_366 : i32 to index
      %get3A_368 = arith.constant 48 : index
      %get3A_369 = tpu.vector_load %arg9[%get3A_367, %get3A_368] {strides = array<i32>} : memref<2x80xi32, #tpu.memory_space<vmem>>, vector<1x16xi32>,
      %get3A_370 = vector.shape_cast %get3A_369 : vector<1x16xi32> to vector<16xi32>
      %swap3A_371 = arith.constant 0 : i32
      %swap3A_372 = arith.index_cast %swap3A_371 : i32 to index
      %swap3A_373 = arith.constant 48 : index
      %swap3A_374 = tpu.vector_load %arg10[%swap3A_372, %swap3A_373] {strides = array<i32>} : memref<2x80xi32, #tpu.memory_space<vmem>>, vector<1x16xi32>,
      %swap3A_375 = vector.shape_cast %swap3A_374 : vector<1x16xi32> to vector<16xi32>
      %swap3A_376 = vector.shape_cast %get3A_370 : vector<16xi32> to vector<1x16xi32>
      tpu.vector_store %arg10[%swap3A_372, %swap3A_373], %swap3A_376 {strides = array<i32>} : memref<2x80xi32, #tpu.memory_space<vmem>>, vector<1x16xi32>,
      %get3A_377 = arith.constant 0 : i32
      %get3A_378 = arith.index_cast %get3A_377 : i32 to index
      %get3A_379 = arith.constant 64 : index
      %get3A_380 = tpu.vector_load %arg9[%get3A_378, %get3A_379] {strides = array<i32>} : memref<2x80xi32, #tpu.memory_space<vmem>>, vector<1x16xi32>,
      %get3A_381 = vector.shape_cast %get3A_380 : vector<1x16xi32> to vector<16xi32>
      %swap3A_382 = arith.constant 0 : i32
      %swap3A_383 = arith.index_cast %swap3A_382 : i32 to index
      %swap3A_384 = arith.constant 64 : index
      %swap3A_385 = tpu.vector_load %arg10[%swap3A_383, %swap3A_384] {strides = array<i32>} : memref<2x80xi32, #tpu.memory_space<vmem>>, vector<1x16xi32>,
      %swap3A_386 = vector.shape_cast %swap3A_385 : vector<1x16xi32> to vector<16xi32>
      %swap3A_387 = vector.shape_cast %get3A_381 : vector<16xi32> to vector<1x16xi32>
      tpu.vector_store %arg10[%swap3A_383, %swap3A_384], %swap3A_387 {strides = array<i32>} : memref<2x80xi32, #tpu.memory_space<vmem>>, vector<1x16xi32>,
      %dma_start3A_388 = arith.constant 0 : i32
      %dma_start3A_389 = arith.constant 0 : i32
      %dma_start3A_390 = arith.constant 0 : i32
      %dma_start3A_391 = arith.constant 0 : i32
      %dma_start3A_392 = tpu.memref_slice %arg11[%dma_start3A_388, %dma_start3A_390, %dma_start3A_391] : memref<2x80x128xf32, #tpu.memory_space<vmem>> -> memref<1x80x128xf32, #tpu.memory_space<vmem>>
      %dma_start3A_393 = tpu.memref_squeeze %dma_start3A_392 : memref<1x80x128xf32, #tpu.memory_space<vmem>> -> memref<80x128xf32, #tpu.memory_space<vmem>>
      %dma_start3A_394 = arith.constant 0 : i32
      %dma_start3A_395 = tpu.memref_slice %arg10[%dma_start3A_389, %dma_start3A_394] : memref<2x80xi32, #tpu.memory_space<vmem>> -> memref<1x80xi32, #tpu.memory_space<vmem>>
      %dma_start3A_396 = tpu.memref_squeeze %dma_start3A_395 : memref<1x80xi32, #tpu.memory_space<vmem>> -> memref<80xi32, #tpu.memory_space<vmem>>
      %dma_start3A_397 = arith.constant 0 : i32
      %dma_start3A_398 = arith.constant 0 : i32
      %dma_start3A_399 = tpu.memref_slice %arg13[%dma_start3A_397, %dma_start3A_398] : memref<10000x128xf32, #tpu.memory_space<vmem_shared>> -> memref<10000x128xf32, #tpu.memory_space<vmem_shared>>
      tpu.enqueue_indirect_dma source(%dma_start3A_393 : memref<80x128xf32, #tpu.memory_space<vmem>>) target(%dma_start3A_399 : memref<10000x128xf32, #tpu.memory_space<vmem_shared>>) offsets(%dma_start3A_396 : memref<80xi32, #tpu.memory_space<vmem>>) semaphore(%arg18 : memref<!tpu.dma_semaphore, #tpu.memory_space<semaphore_mem>>) {add = true}
      %add3A_400 = arith.constant 2 : i32
      %add3A_401 = arith.addi %mul3A_258, %add3A_400 : i32
      %lt3A_402 = arith.constant 125 : i32
      %lt3A_403 = arith.cmpi slt, %add3A_401, %lt3A_402 : i32
      %convert_element_type3A_404 = arith.extui %lt3A_403 : i1 to i32
      %cond3A_405 = arith.constant 0 : i32
      %cond3A_406 = arith.cmpi ne, %convert_element_type3A_404, %cond3A_405 : i32
      scf.if %cond3A_406 {
        %add3A_524 = arith.constant 2 : i32
        %add3A_525 = arith.addi %mul3A_258, %add3A_524 : i32
        %mul3A_526 = arith.constant 80 : i32
        %mul3A_527 = arith.muli %add3A_525, %mul3A_526 : i32
        %add3A_528 = arith.addi %mul3A_10, %mul3A_527 : i32
        %dma_start3A_529 = arith.constant 0 : i32
        %dma_start3A_530 = arith.constant 0 : i32
        %dma_start3A_531 = tpu.memref_slice %arg8[%dma_start3A_529, %dma_start3A_530] : memref<2x80xi32, #tpu.memory_space<vmem>> -> memref<1x80xi32, #tpu.memory_space<vmem>>
        %dma_start3A_532 = tpu.memref_squeeze %dma_start3A_531 : memref<1x80xi32, #tpu.memory_space<vmem>> -> memref<80xi32, #tpu.memory_space<vmem>>
        %dma_start3A_533 = tpu.memref_slice %arg3[%add3A_528] : memref<320000xi32, #tpu.memory_space<hbm>> -> memref<80xi32, #tpu.memory_space<hbm>>
        %dma_start3A_534 = arith.constant 0 : i32
        %dma_start3A_535 = tpu.memref_slice %arg8[%dma_start3A_529, %dma_start3A_534] : memref<2x80xi32, #tpu.memory_space<vmem>> -> memref<1x80xi32, #tpu.memory_space<vmem>>
        %dma_start3A_536 = tpu.memref_squeeze %dma_start3A_535 : memref<1x80xi32, #tpu.memory_space<vmem>> -> memref<80xi32, #tpu.memory_space<vmem>>
        %dma_start3A_537 = tpu.memref_slice %arg3[%add3A_528] : memref<320000xi32, #tpu.memory_space<hbm>> -> memref<80xi32, #tpu.memory_space<hbm>>
        tpu.enqueue_dma source(%dma_start3A_537 : memref<80xi32, #tpu.memory_space<hbm>>) target(%dma_start3A_536 : memref<80xi32, #tpu.memory_space<vmem>>) target_semaphore(%arg14 : memref<!tpu.dma_semaphore, #tpu.memory_space<semaphore_mem>>)
        %dma_start3A_538 = arith.constant 0 : i32
        %dma_start3A_539 = arith.constant 0 : i32
        %dma_start3A_540 = tpu.memref_slice %arg9[%dma_start3A_538, %dma_start3A_539] : memref<2x80xi32, #tpu.memory_space<vmem>> -> memref<1x80xi32, #tpu.memory_space<vmem>>
        %dma_start3A_541 = tpu.memref_squeeze %dma_start3A_540 : memref<1x80xi32, #tpu.memory_space<vmem>> -> memref<80xi32, #tpu.memory_space<vmem>>
        %dma_start3A_542 = tpu.memref_slice %arg4[%add3A_528] : memref<320000xi32, #tpu.memory_space<hbm>> -> memref<80xi32, #tpu.memory_space<hbm>>
        %dma_start3A_543 = arith.constant 0 : i32
        %dma_start3A_544 = tpu.memref_slice %arg9[%dma_start3A_538, %dma_start3A_543] : memref<2x80xi32, #tpu.memory_space<vmem>> -> memref<1x80xi32, #tpu.memory_space<vmem>>
        %dma_start3A_545 = tpu.memref_squeeze %dma_start3A_544 : memref<1x80xi32, #tpu.memory_space<vmem>> -> memref<80xi32, #tpu.memory_space<vmem>>
        %dma_start3A_546 = tpu.memref_slice %arg4[%add3A_528] : memref<320000xi32, #tpu.memory_space<hbm>> -> memref<80xi32, #tpu.memory_space<hbm>>
        tpu.enqueue_dma source(%dma_start3A_546 : memref<80xi32, #tpu.memory_space<hbm>>) target(%dma_start3A_545 : memref<80xi32, #tpu.memory_space<vmem>>) target_semaphore(%arg14 : memref<!tpu.dma_semaphore, #tpu.memory_space<semaphore_mem>>)
        %dma_start3A_547 = arith.constant 0 : i32
        %dma_start3A_548 = arith.constant 0 : i32
        %dma_start3A_549 = arith.constant 0 : i32
        %dma_start3A_550 = tpu.memref_slice %arg12[%dma_start3A_547, %dma_start3A_548, %dma_start3A_549] : memref<2x80x128xf32, #tpu.memory_space<vmem>> -> memref<1x80x128xf32, #tpu.memory_space<vmem>>
        %dma_start3A_551 = tpu.memref_squeeze %dma_start3A_550 : memref<1x80x128xf32, #tpu.memory_space<vmem>> -> memref<80x128xf32, #tpu.memory_space<vmem>>
        %dma_start3A_552 = arith.constant 0 : i32
        %dma_start3A_553 = tpu.memref_slice %arg5[%add3A_528, %dma_start3A_552] : memref<320000x128xf32, #tpu.memory_space<hbm>> -> memref<80x128xf32, #tpu.memory_space<hbm>>
        %dma_start3A_554 = arith.constant 0 : i32
        %dma_start3A_555 = arith.constant 0 : i32
        %dma_start3A_556 = tpu.memref_slice %arg12[%dma_start3A_547, %dma_start3A_554, %dma_start3A_555] : memref<2x80x128xf32, #tpu.memory_space<vmem>> -> memref<1x80x128xf32, #tpu.memory_space<vmem>>
        %dma_start3A_557 = tpu.memref_squeeze %dma_start3A_556 : memref<1x80x128xf32, #tpu.memory_space<vmem>> -> memref<80x128xf32, #tpu.memory_space<vmem>>
        %dma_start3A_558 = arith.constant 0 : i32
        %dma_start3A_559 = tpu.memref_slice %arg5[%add3A_528, %dma_start3A_558] : memref<320000x128xf32, #tpu.memory_space<hbm>> -> memref<80x128xf32, #tpu.memory_space<hbm>>
        tpu.enqueue_dma source(%dma_start3A_559 : memref<80x128xf32, #tpu.memory_space<hbm>>) target(%dma_start3A_557 : memref<80x128xf32, #tpu.memory_space<vmem>>) target_semaphore(%arg14 : memref<!tpu.dma_semaphore, #tpu.memory_space<semaphore_mem>>)
      } else {
      }
      %dma_wait3A_407 = arith.constant 1 : i32
      %dma_wait3A_408 = arith.constant 0 : i32
      %dma_wait3A_409 = arith.constant 0 : i32
      %dma_wait3A_410 = tpu.memref_slice %arg11[%dma_wait3A_407, %dma_wait3A_408, %dma_wait3A_409] : memref<2x80x128xf32, #tpu.memory_space<vmem>> -> memref<1x80x128xf32, #tpu.memory_space<vmem>>
      %dma_wait3A_411 = tpu.memref_squeeze %dma_wait3A_410 : memref<1x80x128xf32, #tpu.memory_space<vmem>> -> memref<80x128xf32, #tpu.memory_space<vmem>>
      %dma_wait3A_412 = arith.constant 0 : i32
      %dma_wait3A_413 = arith.constant 0 : i32
      %dma_wait3A_414 = tpu.memref_slice %arg2[%dma_wait3A_412, %dma_wait3A_413] : memref<10000x128xf32, #tpu.memory_space<hbm>> -> memref<80x128xf32, #tpu.memory_space<hbm>>
      %dma_wait3A_415 = arith.constant 0 : i32
      %dma_wait3A_416 = arith.constant 0 : i32
      %dma_wait3A_417 = tpu.memref_slice %arg11[%dma_wait3A_407, %dma_wait3A_415, %dma_wait3A_416] : memref<2x80x128xf32, #tpu.memory_space<vmem>> -> memref<1x80x128xf32, #tpu.memory_space<vmem>>
      %dma_wait3A_418 = tpu.memref_squeeze %dma_wait3A_417 : memref<1x80x128xf32, #tpu.memory_space<vmem>> -> memref<80x128xf32, #tpu.memory_space<vmem>>
      %dma_wait3A_419 = arith.constant 0 : i32
      %dma_wait3A_420 = arith.constant 0 : i32
      %dma_wait3A_421 = tpu.memref_slice %arg2[%dma_wait3A_419, %dma_wait3A_420] : memref<10000x128xf32, #tpu.memory_space<hbm>> -> memref<80x128xf32, #tpu.memory_space<hbm>>
      tpu.wait_dma2 semaphore(%arg17 : memref<!tpu.dma_semaphore, #tpu.memory_space<semaphore_mem>>) src(%dma_wait3A_421 : memref<80x128xf32, #tpu.memory_space<hbm>>) dst(%dma_wait3A_418 : memref<80x128xf32, #tpu.memory_space<vmem>>)
      %dma_wait3A_422 = arith.constant 0 : i32
      %dma_wait3A_423 = arith.constant 0 : i32
      %dma_wait3A_424 = arith.constant 0 : i32
      %dma_wait3A_425 = tpu.memref_slice %arg11[%dma_wait3A_422, %dma_wait3A_423, %dma_wait3A_424] : memref<2x80x128xf32, #tpu.memory_space<vmem>> -> memref<1x80x128xf32, #tpu.memory_space<vmem>>
      %dma_wait3A_426 = tpu.memref_squeeze %dma_wait3A_425 : memref<1x80x128xf32, #tpu.memory_space<vmem>> -> memref<80x128xf32, #tpu.memory_space<vmem>>
      %dma_wait3A_427 = arith.constant 0 : i32
      %dma_wait3A_428 = arith.constant 0 : i32
      %dma_wait3A_429 = tpu.memref_slice %arg2[%dma_wait3A_427, %dma_wait3A_428] : memref<10000x128xf32, #tpu.memory_space<hbm>> -> memref<80x128xf32, #tpu.memory_space<hbm>>
      %dma_wait3A_430 = arith.constant 0 : i32
      %dma_wait3A_431 = arith.constant 0 : i32
      %dma_wait3A_432 = tpu.memref_slice %arg11[%dma_wait3A_422, %dma_wait3A_430, %dma_wait3A_431] : memref<2x80x128xf32, #tpu.memory_space<vmem>> -> memref<1x80x128xf32, #tpu.memory_space<vmem>>
      %dma_wait3A_433 = tpu.memref_squeeze %dma_wait3A_432 : memref<1x80x128xf32, #tpu.memory_space<vmem>> -> memref<80x128xf32, #tpu.memory_space<vmem>>
      %dma_wait3A_434 = arith.constant 0 : i32
      %dma_wait3A_435 = arith.constant 0 : i32
      %dma_wait3A_436 = tpu.memref_slice %arg2[%dma_wait3A_434, %dma_wait3A_435] : memref<10000x128xf32, #tpu.memory_space<hbm>> -> memref<80x128xf32, #tpu.memory_space<hbm>>
      tpu.wait_dma2 semaphore(%arg18 : memref<!tpu.dma_semaphore, #tpu.memory_space<semaphore_mem>>) src(%dma_wait3A_436 : memref<80x128xf32, #tpu.memory_space<hbm>>) dst(%dma_wait3A_433 : memref<80x128xf32, #tpu.memory_space<vmem>>)
      %add3A_437 = arith.constant 2 : i32
      %add3A_438 = arith.addi %mul3A_258, %add3A_437 : i32
      %lt3A_439 = arith.constant 125 : i32
      %lt3A_440 = arith.cmpi slt, %add3A_438, %lt3A_439 : i32
      %convert_element_type3A_441 = arith.extui %lt3A_440 : i1 to i32
      %cond3A_442 = arith.constant 0 : i32
      %cond3A_443 = arith.cmpi ne, %convert_element_type3A_441, %cond3A_442 : i32
      scf.if %cond3A_443 {
        %dma_wait3A_524 = arith.constant 0 : i32
        %dma_wait3A_525 = arith.constant 0 : i32
        %dma_wait3A_526 = tpu.memref_slice %arg8[%dma_wait3A_524, %dma_wait3A_525] : memref<2x80xi32, #tpu.memory_space<vmem>> -> memref<1x80xi32, #tpu.memory_space<vmem>>
        %dma_wait3A_527 = tpu.memref_squeeze %dma_wait3A_526 : memref<1x80xi32, #tpu.memory_space<vmem>> -> memref<80xi32, #tpu.memory_space<vmem>>
        %dma_wait3A_528 = arith.constant 0 : i32
        %dma_wait3A_529 = tpu.memref_slice %arg3[%dma_wait3A_528] : memref<320000xi32, #tpu.memory_space<hbm>> -> memref<80xi32, #tpu.memory_space<hbm>>
        %dma_wait3A_530 = arith.constant 0 : i32
        %dma_wait3A_531 = tpu.memref_slice %arg8[%dma_wait3A_524, %dma_wait3A_530] : memref<2x80xi32, #tpu.memory_space<vmem>> -> memref<1x80xi32, #tpu.memory_space<vmem>>
        %dma_wait3A_532 = tpu.memref_squeeze %dma_wait3A_531 : memref<1x80xi32, #tpu.memory_space<vmem>> -> memref<80xi32, #tpu.memory_space<vmem>>
        %dma_wait3A_533 = arith.constant 0 : i32
        %dma_wait3A_534 = tpu.memref_slice %arg3[%dma_wait3A_533] : memref<320000xi32, #tpu.memory_space<hbm>> -> memref<80xi32, #tpu.memory_space<hbm>>
        tpu.wait_dma2 semaphore(%arg14 : memref<!tpu.dma_semaphore, #tpu.memory_space<semaphore_mem>>) src(%dma_wait3A_534 : memref<80xi32, #tpu.memory_space<hbm>>) dst(%dma_wait3A_532 : memref<80xi32, #tpu.memory_space<vmem>>)
        %dma_wait3A_535 = arith.constant 0 : i32
        %dma_wait3A_536 = arith.constant 0 : i32
        %dma_wait3A_537 = tpu.memref_slice %arg9[%dma_wait3A_535, %dma_wait3A_536] : memref<2x80xi32, #tpu.memory_space<vmem>> -> memref<1x80xi32, #tpu.memory_space<vmem>>
        %dma_wait3A_538 = tpu.memref_squeeze %dma_wait3A_537 : memref<1x80xi32, #tpu.memory_space<vmem>> -> memref<80xi32, #tpu.memory_space<vmem>>
        %dma_wait3A_539 = arith.constant 0 : i32
        %dma_wait3A_540 = tpu.memref_slice %arg4[%dma_wait3A_539] : memref<320000xi32, #tpu.memory_space<hbm>> -> memref<80xi32, #tpu.memory_space<hbm>>
        %dma_wait3A_541 = arith.constant 0 : i32
        %dma_wait3A_542 = tpu.memref_slice %arg9[%dma_wait3A_535, %dma_wait3A_541] : memref<2x80xi32, #tpu.memory_space<vmem>> -> memref<1x80xi32, #tpu.memory_space<vmem>>
        %dma_wait3A_543 = tpu.memref_squeeze %dma_wait3A_542 : memref<1x80xi32, #tpu.memory_space<vmem>> -> memref<80xi32, #tpu.memory_space<vmem>>
        %dma_wait3A_544 = arith.constant 0 : i32
        %dma_wait3A_545 = tpu.memref_slice %arg4[%dma_wait3A_544] : memref<320000xi32, #tpu.memory_space<hbm>> -> memref<80xi32, #tpu.memory_space<hbm>>
        tpu.wait_dma2 semaphore(%arg14 : memref<!tpu.dma_semaphore, #tpu.memory_space<semaphore_mem>>) src(%dma_wait3A_545 : memref<80xi32, #tpu.memory_space<hbm>>) dst(%dma_wait3A_543 : memref<80xi32, #tpu.memory_space<vmem>>)
        %dma_wait3A_546 = arith.constant 0 : i32
        %dma_wait3A_547 = arith.constant 0 : i32
        %dma_wait3A_548 = arith.constant 0 : i32
        %dma_wait3A_549 = tpu.memref_slice %arg12[%dma_wait3A_546, %dma_wait3A_547, %dma_wait3A_548] : memref<2x80x128xf32, #tpu.memory_space<vmem>> -> memref<1x80x128xf32, #tpu.memory_space<vmem>>
        %dma_wait3A_550 = tpu.memref_squeeze %dma_wait3A_549 : memref<1x80x128xf32, #tpu.memory_space<vmem>> -> memref<80x128xf32, #tpu.memory_space<vmem>>
        %dma_wait3A_551 = arith.constant 0 : i32
        %dma_wait3A_552 = arith.constant 0 : i32
        %dma_wait3A_553 = tpu.memref_slice %arg5[%dma_wait3A_551, %dma_wait3A_552] : memref<320000x128xf32, #tpu.memory_space<hbm>> -> memref<80x128xf32, #tpu.memory_space<hbm>>
        %dma_wait3A_554 = arith.constant 0 : i32
        %dma_wait3A_555 = arith.constant 0 : i32
        %dma_wait3A_556 = tpu.memref_slice %arg12[%dma_wait3A_546, %dma_wait3A_554, %dma_wait3A_555] : memref<2x80x128xf32, #tpu.memory_space<vmem>> -> memref<1x80x128xf32, #tpu.memory_space<vmem>>
        %dma_wait3A_557 = tpu.memref_squeeze %dma_wait3A_556 : memref<1x80x128xf32, #tpu.memory_space<vmem>> -> memref<80x128xf32, #tpu.memory_space<vmem>>
        %dma_wait3A_558 = arith.constant 0 : i32
        %dma_wait3A_559 = arith.constant 0 : i32
        %dma_wait3A_560 = tpu.memref_slice %arg5[%dma_wait3A_558, %dma_wait3A_559] : memref<320000x128xf32, #tpu.memory_space<hbm>> -> memref<80x128xf32, #tpu.memory_space<hbm>>
        tpu.wait_dma2 semaphore(%arg14 : memref<!tpu.dma_semaphore, #tpu.memory_space<semaphore_mem>>) src(%dma_wait3A_560 : memref<80x128xf32, #tpu.memory_space<hbm>>) dst(%dma_wait3A_557 : memref<80x128xf32, #tpu.memory_space<vmem>>)
        %dma_start3A_561 = arith.constant 0 : i32
        %dma_start3A_562 = arith.constant 0 : i32
        %dma_start3A_563 = arith.constant 0 : i32
        %dma_start3A_564 = arith.constant 0 : i32
        %dma_start3A_565 = tpu.memref_slice %arg11[%dma_start3A_562, %dma_start3A_563, %dma_start3A_564] : memref<2x80x128xf32, #tpu.memory_space<vmem>> -> memref<1x80x128xf32, #tpu.memory_space<vmem>>
        %dma_start3A_566 = tpu.memref_squeeze %dma_start3A_565 : memref<1x80x128xf32, #tpu.memory_space<vmem>> -> memref<80x128xf32, #tpu.memory_space<vmem>>
        %dma_start3A_567 = arith.constant 0 : i32
        %dma_start3A_568 = tpu.memref_slice %arg8[%dma_start3A_561, %dma_start3A_567] : memref<2x80xi32, #tpu.memory_space<vmem>> -> memref<1x80xi32, #tpu.memory_space<vmem>>
        %dma_start3A_569 = tpu.memref_squeeze %dma_start3A_568 : memref<1x80xi32, #tpu.memory_space<vmem>> -> memref<80xi32, #tpu.memory_space<vmem>>
        %dma_start3A_570 = arith.constant 0 : i32
        %dma_start3A_571 = arith.constant 0 : i32
        %dma_start3A_572 = tpu.memref_slice %arg2[%dma_start3A_570, %dma_start3A_571] : memref<10000x128xf32, #tpu.memory_space<hbm>> -> memref<10000x128xf32, #tpu.memory_space<hbm>>
        tpu.enqueue_indirect_dma source(%dma_start3A_572 : memref<10000x128xf32, #tpu.memory_space<hbm>>) target(%dma_start3A_566 : memref<80x128xf32, #tpu.memory_space<vmem>>) offsets(%dma_start3A_569 : memref<80xi32, #tpu.memory_space<vmem>>) semaphore(%arg16 : memref<!tpu.dma_semaphore, #tpu.memory_space<semaphore_mem>>)
      } else {
      }
      %scan3A_444 = arith.constant 0 : i32
      %scan3A_445 = arith.constant 0 : i32
      %scan3A_446 = arith.constant 80 : i32
      %scan3A_447 = arith.addi %scan3A_445, %scan3A_446 : i32
      %scan3A_448 = arith.constant 1 : i32
      scf.for %scan3A_524 = %scan3A_445 to %scan3A_447 step %scan3A_448  : i32 {
        %get3A_525 = arith.constant 1 : i32
        %get3A_526 = arith.index_cast %get3A_525 : i32 to index
        %get3A_527 = arith.index_cast %scan3A_524 : i32 to index
        %get3A_528 = arith.constant 0 : index
        %get3A_529 = tpu.vector_load %arg11[%get3A_526, %get3A_527, %get3A_528] {strides = array<i32>} : memref<2x80x128xf32, #tpu.memory_space<vmem>>, vector<1x1x16xf32>,
        %get3A_530 = vector.shape_cast %get3A_529 : vector<1x1x16xf32> to vector<16xf32>
        %get3A_531 = arith.constant 1 : i32
        %get3A_532 = arith.index_cast %get3A_531 : i32 to index
        %get3A_533 = arith.index_cast %scan3A_524 : i32 to index
        %get3A_534 = arith.constant 0 : index
        %get3A_535 = tpu.vector_load %arg12[%get3A_532, %get3A_533, %get3A_534] {strides = array<i32>} : memref<2x80x128xf32, #tpu.memory_space<vmem>>, vector<1x1x16xf32>,
        %get3A_536 = vector.shape_cast %get3A_535 : vector<1x1x16xf32> to vector<16xf32>
        %add3A_537 = arith.addf %get3A_530, %get3A_536 : vector<16xf32>
        %max3A = arith.constant 0.000000e+00 : f32
        %max3A_538 = vector.broadcast %max3A : f32 to vector<16xf32>
        %max3A_539 = arith.maximumf %add3A_537, %max3A_538 : vector<16xf32>
        %swap3A_540 = arith.constant 1 : i32
        %swap3A_541 = arith.index_cast %swap3A_540 : i32 to index
        %swap3A_542 = arith.index_cast %scan3A_524 : i32 to index
        %swap3A_543 = arith.constant 0 : index
        %swap3A_544 = tpu.vector_load %arg11[%swap3A_541, %swap3A_542, %swap3A_543] {strides = array<i32>} : memref<2x80x128xf32, #tpu.memory_space<vmem>>, vector<1x1x16xf32>,
        %swap3A_545 = vector.shape_cast %swap3A_544 : vector<1x1x16xf32> to vector<16xf32>
        %swap3A_546 = vector.shape_cast %max3A_539 : vector<16xf32> to vector<1x1x16xf32>
        tpu.vector_store %arg11[%swap3A_541, %swap3A_542, %swap3A_543], %swap3A_546 {strides = array<i32>} : memref<2x80x128xf32, #tpu.memory_space<vmem>>, vector<1x1x16xf32>,
        %get3A_547 = arith.constant 1 : i32
        %get3A_548 = arith.index_cast %get3A_547 : i32 to index
        %get3A_549 = arith.index_cast %scan3A_524 : i32 to index
        %get3A_550 = arith.constant 16 : index
        %get3A_551 = tpu.vector_load %arg11[%get3A_548, %get3A_549, %get3A_550] {strides = array<i32>} : memref<2x80x128xf32, #tpu.memory_space<vmem>>, vector<1x1x16xf32>,
        %get3A_552 = vector.shape_cast %get3A_551 : vector<1x1x16xf32> to vector<16xf32>
        %get3A_553 = arith.constant 1 : i32
        %get3A_554 = arith.index_cast %get3A_553 : i32 to index
        %get3A_555 = arith.index_cast %scan3A_524 : i32 to index
        %get3A_556 = arith.constant 16 : index
        %get3A_557 = tpu.vector_load %arg12[%get3A_554, %get3A_555, %get3A_556] {strides = array<i32>} : memref<2x80x128xf32, #tpu.memory_space<vmem>>, vector<1x1x16xf32>,
        %get3A_558 = vector.shape_cast %get3A_557 : vector<1x1x16xf32> to vector<16xf32>
        %add3A_559 = arith.addf %get3A_552, %get3A_558 : vector<16xf32>
        %max3A_560 = arith.constant 0.000000e+00 : f32
        %max3A_561 = vector.broadcast %max3A_560 : f32 to vector<16xf32>
        %max3A_562 = arith.maximumf %add3A_559, %max3A_561 : vector<16xf32>
        %swap3A_563 = arith.constant 1 : i32
        %swap3A_564 = arith.index_cast %swap3A_563 : i32 to index
        %swap3A_565 = arith.index_cast %scan3A_524 : i32 to index
        %swap3A_566 = arith.constant 16 : index
        %swap3A_567 = tpu.vector_load %arg11[%swap3A_564, %swap3A_565, %swap3A_566] {strides = array<i32>} : memref<2x80x128xf32, #tpu.memory_space<vmem>>, vector<1x1x16xf32>,
        %swap3A_568 = vector.shape_cast %swap3A_567 : vector<1x1x16xf32> to vector<16xf32>
        %swap3A_569 = vector.shape_cast %max3A_562 : vector<16xf32> to vector<1x1x16xf32>
        tpu.vector_store %arg11[%swap3A_564, %swap3A_565, %swap3A_566], %swap3A_569 {strides = array<i32>} : memref<2x80x128xf32, #tpu.memory_space<vmem>>, vector<1x1x16xf32>,
        %get3A_570 = arith.constant 1 : i32
        %get3A_571 = arith.index_cast %get3A_570 : i32 to index
        %get3A_572 = arith.index_cast %scan3A_524 : i32 to index
        %get3A_573 = arith.constant 32 : index
        %get3A_574 = tpu.vector_load %arg11[%get3A_571, %get3A_572, %get3A_573] {strides = array<i32>} : memref<2x80x128xf32, #tpu.memory_space<vmem>>, vector<1x1x16xf32>,
        %get3A_575 = vector.shape_cast %get3A_574 : vector<1x1x16xf32> to vector<16xf32>
        %get3A_576 = arith.constant 1 : i32
        %get3A_577 = arith.index_cast %get3A_576 : i32 to index
        %get3A_578 = arith.index_cast %scan3A_524 : i32 to index
        %get3A_579 = arith.constant 32 : index
        %get3A_580 = tpu.vector_load %arg12[%get3A_577, %get3A_578, %get3A_579] {strides = array<i32>} : memref<2x80x128xf32, #tpu.memory_space<vmem>>, vector<1x1x16xf32>,
        %get3A_581 = vector.shape_cast %get3A_580 : vector<1x1x16xf32> to vector<16xf32>
        %add3A_582 = arith.addf %get3A_575, %get3A_581 : vector<16xf32>
        %max3A_583 = arith.constant 0.000000e+00 : f32
        %max3A_584 = vector.broadcast %max3A_583 : f32 to vector<16xf32>
        %max3A_585 = arith.maximumf %add3A_582, %max3A_584 : vector<16xf32>
        %swap3A_586 = arith.constant 1 : i32
        %swap3A_587 = arith.index_cast %swap3A_586 : i32 to index
        %swap3A_588 = arith.index_cast %scan3A_524 : i32 to index
        %swap3A_589 = arith.constant 32 : index
        %swap3A_590 = tpu.vector_load %arg11[%swap3A_587, %swap3A_588, %swap3A_589] {strides = array<i32>} : memref<2x80x128xf32, #tpu.memory_space<vmem>>, vector<1x1x16xf32>,
        %swap3A_591 = vector.shape_cast %swap3A_590 : vector<1x1x16xf32> to vector<16xf32>
        %swap3A_592 = vector.shape_cast %max3A_585 : vector<16xf32> to vector<1x1x16xf32>
        tpu.vector_store %arg11[%swap3A_587, %swap3A_588, %swap3A_589], %swap3A_592 {strides = array<i32>} : memref<2x80x128xf32, #tpu.memory_space<vmem>>, vector<1x1x16xf32>,
        %get3A_593 = arith.constant 1 : i32
        %get3A_594 = arith.index_cast %get3A_593 : i32 to index
        %get3A_595 = arith.index_cast %scan3A_524 : i32 to index
        %get3A_596 = arith.constant 48 : index
        %get3A_597 = tpu.vector_load %arg11[%get3A_594, %get3A_595, %get3A_596] {strides = array<i32>} : memref<2x80x128xf32, #tpu.memory_space<vmem>>, vector<1x1x16xf32>,
        %get3A_598 = vector.shape_cast %get3A_597 : vector<1x1x16xf32> to vector<16xf32>
        %get3A_599 = arith.constant 1 : i32
        %get3A_600 = arith.index_cast %get3A_599 : i32 to index
        %get3A_601 = arith.index_cast %scan3A_524 : i32 to index
        %get3A_602 = arith.constant 48 : index
        %get3A_603 = tpu.vector_load %arg12[%get3A_600, %get3A_601, %get3A_602] {strides = array<i32>} : memref<2x80x128xf32, #tpu.memory_space<vmem>>, vector<1x1x16xf32>,
        %get3A_604 = vector.shape_cast %get3A_603 : vector<1x1x16xf32> to vector<16xf32>
        %add3A_605 = arith.addf %get3A_598, %get3A_604 : vector<16xf32>
        %max3A_606 = arith.constant 0.000000e+00 : f32
        %max3A_607 = vector.broadcast %max3A_606 : f32 to vector<16xf32>
        %max3A_608 = arith.maximumf %add3A_605, %max3A_607 : vector<16xf32>
        %swap3A_609 = arith.constant 1 : i32
        %swap3A_610 = arith.index_cast %swap3A_609 : i32 to index
        %swap3A_611 = arith.index_cast %scan3A_524 : i32 to index
        %swap3A_612 = arith.constant 48 : index
        %swap3A_613 = tpu.vector_load %arg11[%swap3A_610, %swap3A_611, %swap3A_612] {strides = array<i32>} : memref<2x80x128xf32, #tpu.memory_space<vmem>>, vector<1x1x16xf32>,
        %swap3A_614 = vector.shape_cast %swap3A_613 : vector<1x1x16xf32> to vector<16xf32>
        %swap3A_615 = vector.shape_cast %max3A_608 : vector<16xf32> to vector<1x1x16xf32>
        tpu.vector_store %arg11[%swap3A_610, %swap3A_611, %swap3A_612], %swap3A_615 {strides = array<i32>} : memref<2x80x128xf32, #tpu.memory_space<vmem>>, vector<1x1x16xf32>,
        %get3A_616 = arith.constant 1 : i32
        %get3A_617 = arith.index_cast %get3A_616 : i32 to index
        %get3A_618 = arith.index_cast %scan3A_524 : i32 to index
        %get3A_619 = arith.constant 64 : index
        %get3A_620 = tpu.vector_load %arg11[%get3A_617, %get3A_618, %get3A_619] {strides = array<i32>} : memref<2x80x128xf32, #tpu.memory_space<vmem>>, vector<1x1x16xf32>,
        %get3A_621 = vector.shape_cast %get3A_620 : vector<1x1x16xf32> to vector<16xf32>
        %get3A_622 = arith.constant 1 : i32
        %get3A_623 = arith.index_cast %get3A_622 : i32 to index
        %get3A_624 = arith.index_cast %scan3A_524 : i32 to index
        %get3A_625 = arith.constant 64 : index
        %get3A_626 = tpu.vector_load %arg12[%get3A_623, %get3A_624, %get3A_625] {strides = array<i32>} : memref<2x80x128xf32, #tpu.memory_space<vmem>>, vector<1x1x16xf32>,
        %get3A_627 = vector.shape_cast %get3A_626 : vector<1x1x16xf32> to vector<16xf32>
        %add3A_628 = arith.addf %get3A_621, %get3A_627 : vector<16xf32>
        %max3A_629 = arith.constant 0.000000e+00 : f32
        %max3A_630 = vector.broadcast %max3A_629 : f32 to vector<16xf32>
        %max3A_631 = arith.maximumf %add3A_628, %max3A_630 : vector<16xf32>
        %swap3A_632 = arith.constant 1 : i32
        %swap3A_633 = arith.index_cast %swap3A_632 : i32 to index
        %swap3A_634 = arith.index_cast %scan3A_524 : i32 to index
        %swap3A_635 = arith.constant 64 : index
        %swap3A_636 = tpu.vector_load %arg11[%swap3A_633, %swap3A_634, %swap3A_635] {strides = array<i32>} : memref<2x80x128xf32, #tpu.memory_space<vmem>>, vector<1x1x16xf32>,
        %swap3A_637 = vector.shape_cast %swap3A_636 : vector<1x1x16xf32> to vector<16xf32>
        %swap3A_638 = vector.shape_cast %max3A_631 : vector<16xf32> to vector<1x1x16xf32>
        tpu.vector_store %arg11[%swap3A_633, %swap3A_634, %swap3A_635], %swap3A_638 {strides = array<i32>} : memref<2x80x128xf32, #tpu.memory_space<vmem>>, vector<1x1x16xf32>,
        %get3A_639 = arith.constant 1 : i32
        %get3A_640 = arith.index_cast %get3A_639 : i32 to index
        %get3A_641 = arith.index_cast %scan3A_524 : i32 to index
        %get3A_642 = arith.constant 80 : index
        %get3A_643 = tpu.vector_load %arg11[%get3A_640, %get3A_641, %get3A_642] {strides = array<i32>} : memref<2x80x128xf32, #tpu.memory_space<vmem>>, vector<1x1x16xf32>,
        %get3A_644 = vector.shape_cast %get3A_643 : vector<1x1x16xf32> to vector<16xf32>
        %get3A_645 = arith.constant 1 : i32
        %get3A_646 = arith.index_cast %get3A_645 : i32 to index
        %get3A_647 = arith.index_cast %scan3A_524 : i32 to index
        %get3A_648 = arith.constant 80 : index
        %get3A_649 = tpu.vector_load %arg12[%get3A_646, %get3A_647, %get3A_648] {strides = array<i32>} : memref<2x80x128xf32, #tpu.memory_space<vmem>>, vector<1x1x16xf32>,
        %get3A_650 = vector.shape_cast %get3A_649 : vector<1x1x16xf32> to vector<16xf32>
        %add3A_651 = arith.addf %get3A_644, %get3A_650 : vector<16xf32>
        %max3A_652 = arith.constant 0.000000e+00 : f32
        %max3A_653 = vector.broadcast %max3A_652 : f32 to vector<16xf32>
        %max3A_654 = arith.maximumf %add3A_651, %max3A_653 : vector<16xf32>
        %swap3A_655 = arith.constant 1 : i32
        %swap3A_656 = arith.index_cast %swap3A_655 : i32 to index
        %swap3A_657 = arith.index_cast %scan3A_524 : i32 to index
        %swap3A_658 = arith.constant 80 : index
        %swap3A_659 = tpu.vector_load %arg11[%swap3A_656, %swap3A_657, %swap3A_658] {strides = array<i32>} : memref<2x80x128xf32, #tpu.memory_space<vmem>>, vector<1x1x16xf32>,
        %swap3A_660 = vector.shape_cast %swap3A_659 : vector<1x1x16xf32> to vector<16xf32>
        %swap3A_661 = vector.shape_cast %max3A_654 : vector<16xf32> to vector<1x1x16xf32>
        tpu.vector_store %arg11[%swap3A_656, %swap3A_657, %swap3A_658], %swap3A_661 {strides = array<i32>} : memref<2x80x128xf32, #tpu.memory_space<vmem>>, vector<1x1x16xf32>,
        %get3A_662 = arith.constant 1 : i32
        %get3A_663 = arith.index_cast %get3A_662 : i32 to index
        %get3A_664 = arith.index_cast %scan3A_524 : i32 to index
        %get3A_665 = arith.constant 96 : index
        %get3A_666 = tpu.vector_load %arg11[%get3A_663, %get3A_664, %get3A_665] {strides = array<i32>} : memref<2x80x128xf32, #tpu.memory_space<vmem>>, vector<1x1x16xf32>,
        %get3A_667 = vector.shape_cast %get3A_666 : vector<1x1x16xf32> to vector<16xf32>
        %get3A_668 = arith.constant 1 : i32
        %get3A_669 = arith.index_cast %get3A_668 : i32 to index
        %get3A_670 = arith.index_cast %scan3A_524 : i32 to index
        %get3A_671 = arith.constant 96 : index
        %get3A_672 = tpu.vector_load %arg12[%get3A_669, %get3A_670, %get3A_671] {strides = array<i32>} : memref<2x80x128xf32, #tpu.memory_space<vmem>>, vector<1x1x16xf32>,
        %get3A_673 = vector.shape_cast %get3A_672 : vector<1x1x16xf32> to vector<16xf32>
        %add3A_674 = arith.addf %get3A_667, %get3A_673 : vector<16xf32>
        %max3A_675 = arith.constant 0.000000e+00 : f32
        %max3A_676 = vector.broadcast %max3A_675 : f32 to vector<16xf32>
        %max3A_677 = arith.maximumf %add3A_674, %max3A_676 : vector<16xf32>
        %swap3A_678 = arith.constant 1 : i32
        %swap3A_679 = arith.index_cast %swap3A_678 : i32 to index
        %swap3A_680 = arith.index_cast %scan3A_524 : i32 to index
        %swap3A_681 = arith.constant 96 : index
        %swap3A_682 = tpu.vector_load %arg11[%swap3A_679, %swap3A_680, %swap3A_681] {strides = array<i32>} : memref<2x80x128xf32, #tpu.memory_space<vmem>>, vector<1x1x16xf32>,
        %swap3A_683 = vector.shape_cast %swap3A_682 : vector<1x1x16xf32> to vector<16xf32>
        %swap3A_684 = vector.shape_cast %max3A_677 : vector<16xf32> to vector<1x1x16xf32>
        tpu.vector_store %arg11[%swap3A_679, %swap3A_680, %swap3A_681], %swap3A_684 {strides = array<i32>} : memref<2x80x128xf32, #tpu.memory_space<vmem>>, vector<1x1x16xf32>,
        %get3A_685 = arith.constant 1 : i32
        %get3A_686 = arith.index_cast %get3A_685 : i32 to index
        %get3A_687 = arith.index_cast %scan3A_524 : i32 to index
        %get3A_688 = arith.constant 112 : index
        %get3A_689 = tpu.vector_load %arg11[%get3A_686, %get3A_687, %get3A_688] {strides = array<i32>} : memref<2x80x128xf32, #tpu.memory_space<vmem>>, vector<1x1x16xf32>,
        %get3A_690 = vector.shape_cast %get3A_689 : vector<1x1x16xf32> to vector<16xf32>
        %get3A_691 = arith.constant 1 : i32
        %get3A_692 = arith.index_cast %get3A_691 : i32 to index
        %get3A_693 = arith.index_cast %scan3A_524 : i32 to index
        %get3A_694 = arith.constant 112 : index
        %get3A_695 = tpu.vector_load %arg12[%get3A_692, %get3A_693, %get3A_694] {strides = array<i32>} : memref<2x80x128xf32, #tpu.memory_space<vmem>>, vector<1x1x16xf32>,
        %get3A_696 = vector.shape_cast %get3A_695 : vector<1x1x16xf32> to vector<16xf32>
        %add3A_697 = arith.addf %get3A_690, %get3A_696 : vector<16xf32>
        %max3A_698 = arith.constant 0.000000e+00 : f32
        %max3A_699 = vector.broadcast %max3A_698 : f32 to vector<16xf32>
        %max3A_700 = arith.maximumf %add3A_697, %max3A_699 : vector<16xf32>
        %swap3A_701 = arith.constant 1 : i32
        %swap3A_702 = arith.index_cast %swap3A_701 : i32 to index
        %swap3A_703 = arith.index_cast %scan3A_524 : i32 to index
        %swap3A_704 = arith.constant 112 : index
        %swap3A_705 = tpu.vector_load %arg11[%swap3A_702, %swap3A_703, %swap3A_704] {strides = array<i32>} : memref<2x80x128xf32, #tpu.memory_space<vmem>>, vector<1x1x16xf32>,
        %swap3A_706 = vector.shape_cast %swap3A_705 : vector<1x1x16xf32> to vector<16xf32>
        %swap3A_707 = vector.shape_cast %max3A_700 : vector<16xf32> to vector<1x1x16xf32>
        tpu.vector_store %arg11[%swap3A_702, %swap3A_703, %swap3A_704], %swap3A_707 {strides = array<i32>} : memref<2x80x128xf32, #tpu.memory_space<vmem>>, vector<1x1x16xf32>,
      }
      %scan3A_449 = arith.constant 80 : i32
      %get3A_450 = arith.constant 1 : i32
      %get3A_451 = arith.index_cast %get3A_450 : i32 to index
      %get3A_452 = arith.constant 0 : index
      %get3A_453 = tpu.vector_load %arg9[%get3A_451, %get3A_452] {strides = array<i32>} : memref<2x80xi32, #tpu.memory_space<vmem>>, vector<1x16xi32>,
      %get3A_454 = vector.shape_cast %get3A_453 : vector<1x16xi32> to vector<16xi32>
      %swap3A_455 = arith.constant 1 : i32
      %swap3A_456 = arith.index_cast %swap3A_455 : i32 to index
      %swap3A_457 = arith.constant 0 : index
      %swap3A_458 = tpu.vector_load %arg10[%swap3A_456, %swap3A_457] {strides = array<i32>} : memref<2x80xi32, #tpu.memory_space<vmem>>, vector<1x16xi32>,
      %swap3A_459 = vector.shape_cast %swap3A_458 : vector<1x16xi32> to vector<16xi32>
      %swap3A_460 = vector.shape_cast %get3A_454 : vector<16xi32> to vector<1x16xi32>
      tpu.vector_store %arg10[%swap3A_456, %swap3A_457], %swap3A_460 {strides = array<i32>} : memref<2x80xi32, #tpu.memory_space<vmem>>, vector<1x16xi32>,
      %get3A_461 = arith.constant 1 : i32
      %get3A_462 = arith.index_cast %get3A_461 : i32 to index
      %get3A_463 = arith.constant 16 : index
      %get3A_464 = tpu.vector_load %arg9[%get3A_462, %get3A_463] {strides = array<i32>} : memref<2x80xi32, #tpu.memory_space<vmem>>, vector<1x16xi32>,
      %get3A_465 = vector.shape_cast %get3A_464 : vector<1x16xi32> to vector<16xi32>
      %swap3A_466 = arith.constant 1 : i32
      %swap3A_467 = arith.index_cast %swap3A_466 : i32 to index
      %swap3A_468 = arith.constant 16 : index
      %swap3A_469 = tpu.vector_load %arg10[%swap3A_467, %swap3A_468] {strides = array<i32>} : memref<2x80xi32, #tpu.memory_space<vmem>>, vector<1x16xi32>,
      %swap3A_470 = vector.shape_cast %swap3A_469 : vector<1x16xi32> to vector<16xi32>
      %swap3A_471 = vector.shape_cast %get3A_465 : vector<16xi32> to vector<1x16xi32>
      tpu.vector_store %arg10[%swap3A_467, %swap3A_468], %swap3A_471 {strides = array<i32>} : memref<2x80xi32, #tpu.memory_space<vmem>>, vector<1x16xi32>,
      %get3A_472 = arith.constant 1 : i32
      %get3A_473 = arith.index_cast %get3A_472 : i32 to index
      %get3A_474 = arith.constant 32 : index
      %get3A_475 = tpu.vector_load %arg9[%get3A_473, %get3A_474] {strides = array<i32>} : memref<2x80xi32, #tpu.memory_space<vmem>>, vector<1x16xi32>,
      %get3A_476 = vector.shape_cast %get3A_475 : vector<1x16xi32> to vector<16xi32>
      %swap3A_477 = arith.constant 1 : i32
      %swap3A_478 = arith.index_cast %swap3A_477 : i32 to index
      %swap3A_479 = arith.constant 32 : index
      %swap3A_480 = tpu.vector_load %arg10[%swap3A_478, %swap3A_479] {strides = array<i32>} : memref<2x80xi32, #tpu.memory_space<vmem>>, vector<1x16xi32>,
      %swap3A_481 = vector.shape_cast %swap3A_480 : vector<1x16xi32> to vector<16xi32>
      %swap3A_482 = vector.shape_cast %get3A_476 : vector<16xi32> to vector<1x16xi32>
      tpu.vector_store %arg10[%swap3A_478, %swap3A_479], %swap3A_482 {strides = array<i32>} : memref<2x80xi32, #tpu.memory_space<vmem>>, vector<1x16xi32>,
      %get3A_483 = arith.constant 1 : i32
      %get3A_484 = arith.index_cast %get3A_483 : i32 to index
      %get3A_485 = arith.constant 48 : index
      %get3A_486 = tpu.vector_load %arg9[%get3A_484, %get3A_485] {strides = array<i32>} : memref<2x80xi32, #tpu.memory_space<vmem>>, vector<1x16xi32>,
      %get3A_487 = vector.shape_cast %get3A_486 : vector<1x16xi32> to vector<16xi32>
      %swap3A_488 = arith.constant 1 : i32
      %swap3A_489 = arith.index_cast %swap3A_488 : i32 to index
      %swap3A_490 = arith.constant 48 : index
      %swap3A_491 = tpu.vector_load %arg10[%swap3A_489, %swap3A_490] {strides = array<i32>} : memref<2x80xi32, #tpu.memory_space<vmem>>, vector<1x16xi32>,
      %swap3A_492 = vector.shape_cast %swap3A_491 : vector<1x16xi32> to vector<16xi32>
      %swap3A_493 = vector.shape_cast %get3A_487 : vector<16xi32> to vector<1x16xi32>
      tpu.vector_store %arg10[%swap3A_489, %swap3A_490], %swap3A_493 {strides = array<i32>} : memref<2x80xi32, #tpu.memory_space<vmem>>, vector<1x16xi32>,
      %get3A_494 = arith.constant 1 : i32
      %get3A_495 = arith.index_cast %get3A_494 : i32 to index
      %get3A_496 = arith.constant 64 : index
      %get3A_497 = tpu.vector_load %arg9[%get3A_495, %get3A_496] {strides = array<i32>} : memref<2x80xi32, #tpu.memory_space<vmem>>, vector<1x16xi32>,
      %get3A_498 = vector.shape_cast %get3A_497 : vector<1x16xi32> to vector<16xi32>
      %swap3A_499 = arith.constant 1 : i32
      %swap3A_500 = arith.index_cast %swap3A_499 : i32 to index
      %swap3A_501 = arith.constant 64 : index
      %swap3A_502 = tpu.vector_load %arg10[%swap3A_500, %swap3A_501] {strides = array<i32>} : memref<2x80xi32, #tpu.memory_space<vmem>>, vector<1x16xi32>,
      %swap3A_503 = vector.shape_cast %swap3A_502 : vector<1x16xi32> to vector<16xi32>
      %swap3A_504 = vector.shape_cast %get3A_498 : vector<16xi32> to vector<1x16xi32>
      tpu.vector_store %arg10[%swap3A_500, %swap3A_501], %swap3A_504 {strides = array<i32>} : memref<2x80xi32, #tpu.memory_space<vmem>>, vector<1x16xi32>,
      %dma_start3A_505 = arith.constant 1 : i32
      %dma_start3A_506 = arith.constant 1 : i32
      %dma_start3A_507 = arith.constant 0 : i32
      %dma_start3A_508 = arith.constant 0 : i32
      %dma_start3A_509 = tpu.memref_slice %arg11[%dma_start3A_505, %dma_start3A_507, %dma_start3A_508] : memref<2x80x128xf32, #tpu.memory_space<vmem>> -> memref<1x80x128xf32, #tpu.memory_space<vmem>>
      %dma_start3A_510 = tpu.memref_squeeze %dma_start3A_509 : memref<1x80x128xf32, #tpu.memory_space<vmem>> -> memref<80x128xf32, #tpu.memory_space<vmem>>
      %dma_start3A_511 = arith.constant 0 : i32
      %dma_start3A_512 = tpu.memref_slice %arg10[%dma_start3A_506, %dma_start3A_511] : memref<2x80xi32, #tpu.memory_space<vmem>> -> memref<1x80xi32, #tpu.memory_space<vmem>>
      %dma_start3A_513 = tpu.memref_squeeze %dma_start3A_512 : memref<1x80xi32, #tpu.memory_space<vmem>> -> memref<80xi32, #tpu.memory_space<vmem>>
      %dma_start3A_514 = arith.constant 0 : i32
      %dma_start3A_515 = arith.constant 0 : i32
      %dma_start3A_516 = tpu.memref_slice %arg13[%dma_start3A_514, %dma_start3A_515] : memref<10000x128xf32, #tpu.memory_space<vmem_shared>> -> memref<10000x128xf32, #tpu.memory_space<vmem_shared>>
      tpu.enqueue_indirect_dma source(%dma_start3A_510 : memref<80x128xf32, #tpu.memory_space<vmem>>) target(%dma_start3A_516 : memref<10000x128xf32, #tpu.memory_space<vmem_shared>>) offsets(%dma_start3A_513 : memref<80xi32, #tpu.memory_space<vmem>>) semaphore(%arg19 : memref<!tpu.dma_semaphore, #tpu.memory_space<semaphore_mem>>) {add = true}
      %add3A_517 = arith.constant 3 : i32
      %add3A_518 = arith.addi %mul3A_258, %add3A_517 : i32
      %lt3A_519 = arith.constant 125 : i32
      %lt3A_520 = arith.cmpi slt, %add3A_518, %lt3A_519 : i32
      %convert_element_type3A_521 = arith.extui %lt3A_520 : i1 to i32
      %cond3A_522 = arith.constant 0 : i32
      %cond3A_523 = arith.cmpi ne, %convert_element_type3A_521, %cond3A_522 : i32
      scf.if %cond3A_523 {
        %add3A_524 = arith.constant 3 : i32
        %add3A_525 = arith.addi %mul3A_258, %add3A_524 : i32
        %mul3A_526 = arith.constant 80 : i32
        %mul3A_527 = arith.muli %add3A_525, %mul3A_526 : i32
        %add3A_528 = arith.addi %mul3A_10, %mul3A_527 : i32
        %dma_start3A_529 = arith.constant 1 : i32
        %dma_start3A_530 = arith.constant 0 : i32
        %dma_start3A_531 = tpu.memref_slice %arg8[%dma_start3A_529, %dma_start3A_530] : memref<2x80xi32, #tpu.memory_space<vmem>> -> memref<1x80xi32, #tpu.memory_space<vmem>>
        %dma_start3A_532 = tpu.memref_squeeze %dma_start3A_531 : memref<1x80xi32, #tpu.memory_space<vmem>> -> memref<80xi32, #tpu.memory_space<vmem>>
        %dma_start3A_533 = tpu.memref_slice %arg3[%add3A_528] : memref<320000xi32, #tpu.memory_space<hbm>> -> memref<80xi32, #tpu.memory_space<hbm>>
        %dma_start3A_534 = arith.constant 0 : i32
        %dma_start3A_535 = tpu.memref_slice %arg8[%dma_start3A_529, %dma_start3A_534] : memref<2x80xi32, #tpu.memory_space<vmem>> -> memref<1x80xi32, #tpu.memory_space<vmem>>
        %dma_start3A_536 = tpu.memref_squeeze %dma_start3A_535 : memref<1x80xi32, #tpu.memory_space<vmem>> -> memref<80xi32, #tpu.memory_space<vmem>>
        %dma_start3A_537 = tpu.memref_slice %arg3[%add3A_528] : memref<320000xi32, #tpu.memory_space<hbm>> -> memref<80xi32, #tpu.memory_space<hbm>>
        tpu.enqueue_dma source(%dma_start3A_537 : memref<80xi32, #tpu.memory_space<hbm>>) target(%dma_start3A_536 : memref<80xi32, #tpu.memory_space<vmem>>) target_semaphore(%arg15 : memref<!tpu.dma_semaphore, #tpu.memory_space<semaphore_mem>>)
        %dma_start3A_538 = arith.constant 1 : i32
        %dma_start3A_539 = arith.constant 0 : i32
        %dma_start3A_540 = tpu.memref_slice %arg9[%dma_start3A_538, %dma_start3A_539] : memref<2x80xi32, #tpu.memory_space<vmem>> -> memref<1x80xi32, #tpu.memory_space<vmem>>
        %dma_start3A_541 = tpu.memref_squeeze %dma_start3A_540 : memref<1x80xi32, #tpu.memory_space<vmem>> -> memref<80xi32, #tpu.memory_space<vmem>>
        %dma_start3A_542 = tpu.memref_slice %arg4[%add3A_528] : memref<320000xi32, #tpu.memory_space<hbm>> -> memref<80xi32, #tpu.memory_space<hbm>>
        %dma_start3A_543 = arith.constant 0 : i32
        %dma_start3A_544 = tpu.memref_slice %arg9[%dma_start3A_538, %dma_start3A_543] : memref<2x80xi32, #tpu.memory_space<vmem>> -> memref<1x80xi32, #tpu.memory_space<vmem>>
        %dma_start3A_545 = tpu.memref_squeeze %dma_start3A_544 : memref<1x80xi32, #tpu.memory_space<vmem>> -> memref<80xi32, #tpu.memory_space<vmem>>
        %dma_start3A_546 = tpu.memref_slice %arg4[%add3A_528] : memref<320000xi32, #tpu.memory_space<hbm>> -> memref<80xi32, #tpu.memory_space<hbm>>
        tpu.enqueue_dma source(%dma_start3A_546 : memref<80xi32, #tpu.memory_space<hbm>>) target(%dma_start3A_545 : memref<80xi32, #tpu.memory_space<vmem>>) target_semaphore(%arg15 : memref<!tpu.dma_semaphore, #tpu.memory_space<semaphore_mem>>)
        %dma_start3A_547 = arith.constant 1 : i32
        %dma_start3A_548 = arith.constant 0 : i32
        %dma_start3A_549 = arith.constant 0 : i32
        %dma_start3A_550 = tpu.memref_slice %arg12[%dma_start3A_547, %dma_start3A_548, %dma_start3A_549] : memref<2x80x128xf32, #tpu.memory_space<vmem>> -> memref<1x80x128xf32, #tpu.memory_space<vmem>>
        %dma_start3A_551 = tpu.memref_squeeze %dma_start3A_550 : memref<1x80x128xf32, #tpu.memory_space<vmem>> -> memref<80x128xf32, #tpu.memory_space<vmem>>
        %dma_start3A_552 = arith.constant 0 : i32
        %dma_start3A_553 = tpu.memref_slice %arg5[%add3A_528, %dma_start3A_552] : memref<320000x128xf32, #tpu.memory_space<hbm>> -> memref<80x128xf32, #tpu.memory_space<hbm>>
        %dma_start3A_554 = arith.constant 0 : i32
        %dma_start3A_555 = arith.constant 0 : i32
        %dma_start3A_556 = tpu.memref_slice %arg12[%dma_start3A_547, %dma_start3A_554, %dma_start3A_555] : memref<2x80x128xf32, #tpu.memory_space<vmem>> -> memref<1x80x128xf32, #tpu.memory_space<vmem>>
        %dma_start3A_557 = tpu.memref_squeeze %dma_start3A_556 : memref<1x80x128xf32, #tpu.memory_space<vmem>> -> memref<80x128xf32, #tpu.memory_space<vmem>>
        %dma_start3A_558 = arith.constant 0 : i32
        %dma_start3A_559 = tpu.memref_slice %arg5[%add3A_528, %dma_start3A_558] : memref<320000x128xf32, #tpu.memory_space<hbm>> -> memref<80x128xf32, #tpu.memory_space<hbm>>
        tpu.enqueue_dma source(%dma_start3A_559 : memref<80x128xf32, #tpu.memory_space<hbm>>) target(%dma_start3A_557 : memref<80x128xf32, #tpu.memory_space<vmem>>) target_semaphore(%arg15 : memref<!tpu.dma_semaphore, #tpu.memory_space<semaphore_mem>>)
      } else {
      }
    }
    %scan3A_128 = arith.constant 62 : i32
    %dma_wait3A_129 = arith.constant 0 : i32
    %dma_wait3A_130 = arith.constant 0 : i32
    %dma_wait3A_131 = arith.constant 0 : i32
    %dma_wait3A_132 = tpu.memref_slice %arg11[%dma_wait3A_129, %dma_wait3A_130, %dma_wait3A_131] : memref<2x80x128xf32, #tpu.memory_space<vmem>> -> memref<1x80x128xf32, #tpu.memory_space<vmem>>
    %dma_wait3A_133 = tpu.memref_squeeze %dma_wait3A_132 : memref<1x80x128xf32, #tpu.memory_space<vmem>> -> memref<80x128xf32, #tpu.memory_space<vmem>>
    %dma_wait3A_134 = arith.constant 0 : i32
    %dma_wait3A_135 = arith.constant 0 : i32
    %dma_wait3A_136 = tpu.memref_slice %arg2[%dma_wait3A_134, %dma_wait3A_135] : memref<10000x128xf32, #tpu.memory_space<hbm>> -> memref<80x128xf32, #tpu.memory_space<hbm>>
    %dma_wait3A_137 = arith.constant 0 : i32
    %dma_wait3A_138 = arith.constant 0 : i32
    %dma_wait3A_139 = tpu.memref_slice %arg11[%dma_wait3A_129, %dma_wait3A_137, %dma_wait3A_138] : memref<2x80x128xf32, #tpu.memory_space<vmem>> -> memref<1x80x128xf32, #tpu.memory_space<vmem>>
    %dma_wait3A_140 = tpu.memref_squeeze %dma_wait3A_139 : memref<1x80x128xf32, #tpu.memory_space<vmem>> -> memref<80x128xf32, #tpu.memory_space<vmem>>
    %dma_wait3A_141 = arith.constant 0 : i32
    %dma_wait3A_142 = arith.constant 0 : i32
    %dma_wait3A_143 = tpu.memref_slice %arg2[%dma_wait3A_141, %dma_wait3A_142] : memref<10000x128xf32, #tpu.memory_space<hbm>> -> memref<80x128xf32, #tpu.memory_space<hbm>>
    tpu.wait_dma2 semaphore(%arg16 : memref<!tpu.dma_semaphore, #tpu.memory_space<semaphore_mem>>) src(%dma_wait3A_143 : memref<80x128xf32, #tpu.memory_space<hbm>>) dst(%dma_wait3A_140 : memref<80x128xf32, #tpu.memory_space<vmem>>)
    %scan3A_144 = arith.constant 0 : i32
    %scan3A_145 = arith.constant 0 : i32
    %scan3A_146 = arith.constant 80 : i32
    %scan3A_147 = arith.addi %scan3A_145, %scan3A_146 : i32
    %scan3A_148 = arith.constant 1 : i32
    scf.for %scan3A_256 = %scan3A_145 to %scan3A_147 step %scan3A_148  : i32 {
      %get3A_257 = arith.constant 0 : i32
      %get3A_258 = arith.index_cast %get3A_257 : i32 to index
      %get3A_259 = arith.index_cast %scan3A_256 : i32 to index
      %get3A_260 = arith.constant 0 : index
      %get3A_261 = tpu.vector_load %arg11[%get3A_258, %get3A_259, %get3A_260] {strides = array<i32>} : memref<2x80x128xf32, #tpu.memory_space<vmem>>, vector<1x1x16xf32>,
      %get3A_262 = vector.shape_cast %get3A_261 : vector<1x1x16xf32> to vector<16xf32>
      %get3A_263 = arith.constant 0 : i32
      %get3A_264 = arith.index_cast %get3A_263 : i32 to index
      %get3A_265 = arith.index_cast %scan3A_256 : i32 to index
      %get3A_266 = arith.constant 0 : index
      %get3A_267 = tpu.vector_load %arg12[%get3A_264, %get3A_265, %get3A_266] {strides = array<i32>} : memref<2x80x128xf32, #tpu.memory_space<vmem>>, vector<1x1x16xf32>,
      %get3A_268 = vector.shape_cast %get3A_267 : vector<1x1x16xf32> to vector<16xf32>
      %add3A_269 = arith.addf %get3A_262, %get3A_268 : vector<16xf32>
      %max3A = arith.constant 0.000000e+00 : f32
      %max3A_270 = vector.broadcast %max3A : f32 to vector<16xf32>
      %max3A_271 = arith.maximumf %add3A_269, %max3A_270 : vector<16xf32>
      %swap3A_272 = arith.constant 0 : i32
      %swap3A_273 = arith.index_cast %swap3A_272 : i32 to index
      %swap3A_274 = arith.index_cast %scan3A_256 : i32 to index
      %swap3A_275 = arith.constant 0 : index
      %swap3A_276 = tpu.vector_load %arg11[%swap3A_273, %swap3A_274, %swap3A_275] {strides = array<i32>} : memref<2x80x128xf32, #tpu.memory_space<vmem>>, vector<1x1x16xf32>,
      %swap3A_277 = vector.shape_cast %swap3A_276 : vector<1x1x16xf32> to vector<16xf32>
      %swap3A_278 = vector.shape_cast %max3A_271 : vector<16xf32> to vector<1x1x16xf32>
      tpu.vector_store %arg11[%swap3A_273, %swap3A_274, %swap3A_275], %swap3A_278 {strides = array<i32>} : memref<2x80x128xf32, #tpu.memory_space<vmem>>, vector<1x1x16xf32>,
      %get3A_279 = arith.constant 0 : i32
      %get3A_280 = arith.index_cast %get3A_279 : i32 to index
      %get3A_281 = arith.index_cast %scan3A_256 : i32 to index
      %get3A_282 = arith.constant 16 : index
      %get3A_283 = tpu.vector_load %arg11[%get3A_280, %get3A_281, %get3A_282] {strides = array<i32>} : memref<2x80x128xf32, #tpu.memory_space<vmem>>, vector<1x1x16xf32>,
      %get3A_284 = vector.shape_cast %get3A_283 : vector<1x1x16xf32> to vector<16xf32>
      %get3A_285 = arith.constant 0 : i32
      %get3A_286 = arith.index_cast %get3A_285 : i32 to index
      %get3A_287 = arith.index_cast %scan3A_256 : i32 to index
      %get3A_288 = arith.constant 16 : index
      %get3A_289 = tpu.vector_load %arg12[%get3A_286, %get3A_287, %get3A_288] {strides = array<i32>} : memref<2x80x128xf32, #tpu.memory_space<vmem>>, vector<1x1x16xf32>,
      %get3A_290 = vector.shape_cast %get3A_289 : vector<1x1x16xf32> to vector<16xf32>
      %add3A_291 = arith.addf %get3A_284, %get3A_290 : vector<16xf32>
      %max3A_292 = arith.constant 0.000000e+00 : f32
      %max3A_293 = vector.broadcast %max3A_292 : f32 to vector<16xf32>
      %max3A_294 = arith.maximumf %add3A_291, %max3A_293 : vector<16xf32>
      %swap3A_295 = arith.constant 0 : i32
      %swap3A_296 = arith.index_cast %swap3A_295 : i32 to index
      %swap3A_297 = arith.index_cast %scan3A_256 : i32 to index
      %swap3A_298 = arith.constant 16 : index
      %swap3A_299 = tpu.vector_load %arg11[%swap3A_296, %swap3A_297, %swap3A_298] {strides = array<i32>} : memref<2x80x128xf32, #tpu.memory_space<vmem>>, vector<1x1x16xf32>,
      %swap3A_300 = vector.shape_cast %swap3A_299 : vector<1x1x16xf32> to vector<16xf32>
      %swap3A_301 = vector.shape_cast %max3A_294 : vector<16xf32> to vector<1x1x16xf32>
      tpu.vector_store %arg11[%swap3A_296, %swap3A_297, %swap3A_298], %swap3A_301 {strides = array<i32>} : memref<2x80x128xf32, #tpu.memory_space<vmem>>, vector<1x1x16xf32>,
      %get3A_302 = arith.constant 0 : i32
      %get3A_303 = arith.index_cast %get3A_302 : i32 to index
      %get3A_304 = arith.index_cast %scan3A_256 : i32 to index
      %get3A_305 = arith.constant 32 : index
      %get3A_306 = tpu.vector_load %arg11[%get3A_303, %get3A_304, %get3A_305] {strides = array<i32>} : memref<2x80x128xf32, #tpu.memory_space<vmem>>, vector<1x1x16xf32>,
      %get3A_307 = vector.shape_cast %get3A_306 : vector<1x1x16xf32> to vector<16xf32>
      %get3A_308 = arith.constant 0 : i32
      %get3A_309 = arith.index_cast %get3A_308 : i32 to index
      %get3A_310 = arith.index_cast %scan3A_256 : i32 to index
      %get3A_311 = arith.constant 32 : index
      %get3A_312 = tpu.vector_load %arg12[%get3A_309, %get3A_310, %get3A_311] {strides = array<i32>} : memref<2x80x128xf32, #tpu.memory_space<vmem>>, vector<1x1x16xf32>,
      %get3A_313 = vector.shape_cast %get3A_312 : vector<1x1x16xf32> to vector<16xf32>
      %add3A_314 = arith.addf %get3A_307, %get3A_313 : vector<16xf32>
      %max3A_315 = arith.constant 0.000000e+00 : f32
      %max3A_316 = vector.broadcast %max3A_315 : f32 to vector<16xf32>
      %max3A_317 = arith.maximumf %add3A_314, %max3A_316 : vector<16xf32>
      %swap3A_318 = arith.constant 0 : i32
      %swap3A_319 = arith.index_cast %swap3A_318 : i32 to index
      %swap3A_320 = arith.index_cast %scan3A_256 : i32 to index
      %swap3A_321 = arith.constant 32 : index
      %swap3A_322 = tpu.vector_load %arg11[%swap3A_319, %swap3A_320, %swap3A_321] {strides = array<i32>} : memref<2x80x128xf32, #tpu.memory_space<vmem>>, vector<1x1x16xf32>,
      %swap3A_323 = vector.shape_cast %swap3A_322 : vector<1x1x16xf32> to vector<16xf32>
      %swap3A_324 = vector.shape_cast %max3A_317 : vector<16xf32> to vector<1x1x16xf32>
      tpu.vector_store %arg11[%swap3A_319, %swap3A_320, %swap3A_321], %swap3A_324 {strides = array<i32>} : memref<2x80x128xf32, #tpu.memory_space<vmem>>, vector<1x1x16xf32>,
      %get3A_325 = arith.constant 0 : i32
      %get3A_326 = arith.index_cast %get3A_325 : i32 to index
      %get3A_327 = arith.index_cast %scan3A_256 : i32 to index
      %get3A_328 = arith.constant 48 : index
      %get3A_329 = tpu.vector_load %arg11[%get3A_326, %get3A_327, %get3A_328] {strides = array<i32>} : memref<2x80x128xf32, #tpu.memory_space<vmem>>, vector<1x1x16xf32>,
      %get3A_330 = vector.shape_cast %get3A_329 : vector<1x1x16xf32> to vector<16xf32>
      %get3A_331 = arith.constant 0 : i32
      %get3A_332 = arith.index_cast %get3A_331 : i32 to index
      %get3A_333 = arith.index_cast %scan3A_256 : i32 to index
      %get3A_334 = arith.constant 48 : index
      %get3A_335 = tpu.vector_load %arg12[%get3A_332, %get3A_333, %get3A_334] {strides = array<i32>} : memref<2x80x128xf32, #tpu.memory_space<vmem>>, vector<1x1x16xf32>,
      %get3A_336 = vector.shape_cast %get3A_335 : vector<1x1x16xf32> to vector<16xf32>
      %add3A_337 = arith.addf %get3A_330, %get3A_336 : vector<16xf32>
      %max3A_338 = arith.constant 0.000000e+00 : f32
      %max3A_339 = vector.broadcast %max3A_338 : f32 to vector<16xf32>
      %max3A_340 = arith.maximumf %add3A_337, %max3A_339 : vector<16xf32>
      %swap3A_341 = arith.constant 0 : i32
      %swap3A_342 = arith.index_cast %swap3A_341 : i32 to index
      %swap3A_343 = arith.index_cast %scan3A_256 : i32 to index
      %swap3A_344 = arith.constant 48 : index
      %swap3A_345 = tpu.vector_load %arg11[%swap3A_342, %swap3A_343, %swap3A_344] {strides = array<i32>} : memref<2x80x128xf32, #tpu.memory_space<vmem>>, vector<1x1x16xf32>,
      %swap3A_346 = vector.shape_cast %swap3A_345 : vector<1x1x16xf32> to vector<16xf32>
      %swap3A_347 = vector.shape_cast %max3A_340 : vector<16xf32> to vector<1x1x16xf32>
      tpu.vector_store %arg11[%swap3A_342, %swap3A_343, %swap3A_344], %swap3A_347 {strides = array<i32>} : memref<2x80x128xf32, #tpu.memory_space<vmem>>, vector<1x1x16xf32>,
      %get3A_348 = arith.constant 0 : i32
      %get3A_349 = arith.index_cast %get3A_348 : i32 to index
      %get3A_350 = arith.index_cast %scan3A_256 : i32 to index
      %get3A_351 = arith.constant 64 : index
      %get3A_352 = tpu.vector_load %arg11[%get3A_349, %get3A_350, %get3A_351] {strides = array<i32>} : memref<2x80x128xf32, #tpu.memory_space<vmem>>, vector<1x1x16xf32>,
      %get3A_353 = vector.shape_cast %get3A_352 : vector<1x1x16xf32> to vector<16xf32>
      %get3A_354 = arith.constant 0 : i32
      %get3A_355 = arith.index_cast %get3A_354 : i32 to index
      %get3A_356 = arith.index_cast %scan3A_256 : i32 to index
      %get3A_357 = arith.constant 64 : index
      %get3A_358 = tpu.vector_load %arg12[%get3A_355, %get3A_356, %get3A_357] {strides = array<i32>} : memref<2x80x128xf32, #tpu.memory_space<vmem>>, vector<1x1x16xf32>,
      %get3A_359 = vector.shape_cast %get3A_358 : vector<1x1x16xf32> to vector<16xf32>
      %add3A_360 = arith.addf %get3A_353, %get3A_359 : vector<16xf32>
      %max3A_361 = arith.constant 0.000000e+00 : f32
      %max3A_362 = vector.broadcast %max3A_361 : f32 to vector<16xf32>
      %max3A_363 = arith.maximumf %add3A_360, %max3A_362 : vector<16xf32>
      %swap3A_364 = arith.constant 0 : i32
      %swap3A_365 = arith.index_cast %swap3A_364 : i32 to index
      %swap3A_366 = arith.index_cast %scan3A_256 : i32 to index
      %swap3A_367 = arith.constant 64 : index
      %swap3A_368 = tpu.vector_load %arg11[%swap3A_365, %swap3A_366, %swap3A_367] {strides = array<i32>} : memref<2x80x128xf32, #tpu.memory_space<vmem>>, vector<1x1x16xf32>,
      %swap3A_369 = vector.shape_cast %swap3A_368 : vector<1x1x16xf32> to vector<16xf32>
      %swap3A_370 = vector.shape_cast %max3A_363 : vector<16xf32> to vector<1x1x16xf32>
      tpu.vector_store %arg11[%swap3A_365, %swap3A_366, %swap3A_367], %swap3A_370 {strides = array<i32>} : memref<2x80x128xf32, #tpu.memory_space<vmem>>, vector<1x1x16xf32>,
      %get3A_371 = arith.constant 0 : i32
      %get3A_372 = arith.index_cast %get3A_371 : i32 to index
      %get3A_373 = arith.index_cast %scan3A_256 : i32 to index
      %get3A_374 = arith.constant 80 : index
      %get3A_375 = tpu.vector_load %arg11[%get3A_372, %get3A_373, %get3A_374] {strides = array<i32>} : memref<2x80x128xf32, #tpu.memory_space<vmem>>, vector<1x1x16xf32>,
      %get3A_376 = vector.shape_cast %get3A_375 : vector<1x1x16xf32> to vector<16xf32>
      %get3A_377 = arith.constant 0 : i32
      %get3A_378 = arith.index_cast %get3A_377 : i32 to index
      %get3A_379 = arith.index_cast %scan3A_256 : i32 to index
      %get3A_380 = arith.constant 80 : index
      %get3A_381 = tpu.vector_load %arg12[%get3A_378, %get3A_379, %get3A_380] {strides = array<i32>} : memref<2x80x128xf32, #tpu.memory_space<vmem>>, vector<1x1x16xf32>,
      %get3A_382 = vector.shape_cast %get3A_381 : vector<1x1x16xf32> to vector<16xf32>
      %add3A_383 = arith.addf %get3A_376, %get3A_382 : vector<16xf32>
      %max3A_384 = arith.constant 0.000000e+00 : f32
      %max3A_385 = vector.broadcast %max3A_384 : f32 to vector<16xf32>
      %max3A_386 = arith.maximumf %add3A_383, %max3A_385 : vector<16xf32>
      %swap3A_387 = arith.constant 0 : i32
      %swap3A_388 = arith.index_cast %swap3A_387 : i32 to index
      %swap3A_389 = arith.index_cast %scan3A_256 : i32 to index
      %swap3A_390 = arith.constant 80 : index
      %swap3A_391 = tpu.vector_load %arg11[%swap3A_388, %swap3A_389, %swap3A_390] {strides = array<i32>} : memref<2x80x128xf32, #tpu.memory_space<vmem>>, vector<1x1x16xf32>,
      %swap3A_392 = vector.shape_cast %swap3A_391 : vector<1x1x16xf32> to vector<16xf32>
      %swap3A_393 = vector.shape_cast %max3A_386 : vector<16xf32> to vector<1x1x16xf32>
      tpu.vector_store %arg11[%swap3A_388, %swap3A_389, %swap3A_390], %swap3A_393 {strides = array<i32>} : memref<2x80x128xf32, #tpu.memory_space<vmem>>, vector<1x1x16xf32>,
      %get3A_394 = arith.constant 0 : i32
      %get3A_395 = arith.index_cast %get3A_394 : i32 to index
      %get3A_396 = arith.index_cast %scan3A_256 : i32 to index
      %get3A_397 = arith.constant 96 : index
      %get3A_398 = tpu.vector_load %arg11[%get3A_395, %get3A_396, %get3A_397] {strides = array<i32>} : memref<2x80x128xf32, #tpu.memory_space<vmem>>, vector<1x1x16xf32>,
      %get3A_399 = vector.shape_cast %get3A_398 : vector<1x1x16xf32> to vector<16xf32>
      %get3A_400 = arith.constant 0 : i32
      %get3A_401 = arith.index_cast %get3A_400 : i32 to index
      %get3A_402 = arith.index_cast %scan3A_256 : i32 to index
      %get3A_403 = arith.constant 96 : index
      %get3A_404 = tpu.vector_load %arg12[%get3A_401, %get3A_402, %get3A_403] {strides = array<i32>} : memref<2x80x128xf32, #tpu.memory_space<vmem>>, vector<1x1x16xf32>,
      %get3A_405 = vector.shape_cast %get3A_404 : vector<1x1x16xf32> to vector<16xf32>
      %add3A_406 = arith.addf %get3A_399, %get3A_405 : vector<16xf32>
      %max3A_407 = arith.constant 0.000000e+00 : f32
      %max3A_408 = vector.broadcast %max3A_407 : f32 to vector<16xf32>
      %max3A_409 = arith.maximumf %add3A_406, %max3A_408 : vector<16xf32>
      %swap3A_410 = arith.constant 0 : i32
      %swap3A_411 = arith.index_cast %swap3A_410 : i32 to index
      %swap3A_412 = arith.index_cast %scan3A_256 : i32 to index
      %swap3A_413 = arith.constant 96 : index
      %swap3A_414 = tpu.vector_load %arg11[%swap3A_411, %swap3A_412, %swap3A_413] {strides = array<i32>} : memref<2x80x128xf32, #tpu.memory_space<vmem>>, vector<1x1x16xf32>,
      %swap3A_415 = vector.shape_cast %swap3A_414 : vector<1x1x16xf32> to vector<16xf32>
      %swap3A_416 = vector.shape_cast %max3A_409 : vector<16xf32> to vector<1x1x16xf32>
      tpu.vector_store %arg11[%swap3A_411, %swap3A_412, %swap3A_413], %swap3A_416 {strides = array<i32>} : memref<2x80x128xf32, #tpu.memory_space<vmem>>, vector<1x1x16xf32>,
      %get3A_417 = arith.constant 0 : i32
      %get3A_418 = arith.index_cast %get3A_417 : i32 to index
      %get3A_419 = arith.index_cast %scan3A_256 : i32 to index
      %get3A_420 = arith.constant 112 : index
      %get3A_421 = tpu.vector_load %arg11[%get3A_418, %get3A_419, %get3A_420] {strides = array<i32>} : memref<2x80x128xf32, #tpu.memory_space<vmem>>, vector<1x1x16xf32>,
      %get3A_422 = vector.shape_cast %get3A_421 : vector<1x1x16xf32> to vector<16xf32>
      %get3A_423 = arith.constant 0 : i32
      %get3A_424 = arith.index_cast %get3A_423 : i32 to index
      %get3A_425 = arith.index_cast %scan3A_256 : i32 to index
      %get3A_426 = arith.constant 112 : index
      %get3A_427 = tpu.vector_load %arg12[%get3A_424, %get3A_425, %get3A_426] {strides = array<i32>} : memref<2x80x128xf32, #tpu.memory_space<vmem>>, vector<1x1x16xf32>,
      %get3A_428 = vector.shape_cast %get3A_427 : vector<1x1x16xf32> to vector<16xf32>
      %add3A_429 = arith.addf %get3A_422, %get3A_428 : vector<16xf32>
      %max3A_430 = arith.constant 0.000000e+00 : f32
      %max3A_431 = vector.broadcast %max3A_430 : f32 to vector<16xf32>
      %max3A_432 = arith.maximumf %add3A_429, %max3A_431 : vector<16xf32>
      %swap3A_433 = arith.constant 0 : i32
      %swap3A_434 = arith.index_cast %swap3A_433 : i32 to index
      %swap3A_435 = arith.index_cast %scan3A_256 : i32 to index
      %swap3A_436 = arith.constant 112 : index
      %swap3A_437 = tpu.vector_load %arg11[%swap3A_434, %swap3A_435, %swap3A_436] {strides = array<i32>} : memref<2x80x128xf32, #tpu.memory_space<vmem>>, vector<1x1x16xf32>,
      %swap3A_438 = vector.shape_cast %swap3A_437 : vector<1x1x16xf32> to vector<16xf32>
      %swap3A_439 = vector.shape_cast %max3A_432 : vector<16xf32> to vector<1x1x16xf32>
      tpu.vector_store %arg11[%swap3A_434, %swap3A_435, %swap3A_436], %swap3A_439 {strides = array<i32>} : memref<2x80x128xf32, #tpu.memory_space<vmem>>, vector<1x1x16xf32>,
    }
    %scan3A_149 = arith.constant 80 : i32
    %get3A = arith.constant 0 : i32
    %get3A_150 = arith.index_cast %get3A : i32 to index
    %get3A_151 = arith.constant 0 : index
    %get3A_152 = tpu.vector_load %arg9[%get3A_150, %get3A_151] {strides = array<i32>} : memref<2x80xi32, #tpu.memory_space<vmem>>, vector<1x16xi32>,
    %get3A_153 = vector.shape_cast %get3A_152 : vector<1x16xi32> to vector<16xi32>
    %swap3A = arith.constant 0 : i32
    %swap3A_154 = arith.index_cast %swap3A : i32 to index
    %swap3A_155 = arith.constant 0 : index
    %swap3A_156 = tpu.vector_load %arg10[%swap3A_154, %swap3A_155] {strides = array<i32>} : memref<2x80xi32, #tpu.memory_space<vmem>>, vector<1x16xi32>,
    %swap3A_157 = vector.shape_cast %swap3A_156 : vector<1x16xi32> to vector<16xi32>
    %swap3A_158 = vector.shape_cast %get3A_153 : vector<16xi32> to vector<1x16xi32>
    tpu.vector_store %arg10[%swap3A_154, %swap3A_155], %swap3A_158 {strides = array<i32>} : memref<2x80xi32, #tpu.memory_space<vmem>>, vector<1x16xi32>,
    %get3A_159 = arith.constant 0 : i32
    %get3A_160 = arith.index_cast %get3A_159 : i32 to index
    %get3A_161 = arith.constant 16 : index
    %get3A_162 = tpu.vector_load %arg9[%get3A_160, %get3A_161] {strides = array<i32>} : memref<2x80xi32, #tpu.memory_space<vmem>>, vector<1x16xi32>,
    %get3A_163 = vector.shape_cast %get3A_162 : vector<1x16xi32> to vector<16xi32>
    %swap3A_164 = arith.constant 0 : i32
    %swap3A_165 = arith.index_cast %swap3A_164 : i32 to index
    %swap3A_166 = arith.constant 16 : index
    %swap3A_167 = tpu.vector_load %arg10[%swap3A_165, %swap3A_166] {strides = array<i32>} : memref<2x80xi32, #tpu.memory_space<vmem>>, vector<1x16xi32>,
    %swap3A_168 = vector.shape_cast %swap3A_167 : vector<1x16xi32> to vector<16xi32>
    %swap3A_169 = vector.shape_cast %get3A_163 : vector<16xi32> to vector<1x16xi32>
    tpu.vector_store %arg10[%swap3A_165, %swap3A_166], %swap3A_169 {strides = array<i32>} : memref<2x80xi32, #tpu.memory_space<vmem>>, vector<1x16xi32>,
    %get3A_170 = arith.constant 0 : i32
    %get3A_171 = arith.index_cast %get3A_170 : i32 to index
    %get3A_172 = arith.constant 32 : index
    %get3A_173 = tpu.vector_load %arg9[%get3A_171, %get3A_172] {strides = array<i32>} : memref<2x80xi32, #tpu.memory_space<vmem>>, vector<1x16xi32>,
    %get3A_174 = vector.shape_cast %get3A_173 : vector<1x16xi32> to vector<16xi32>
    %swap3A_175 = arith.constant 0 : i32
    %swap3A_176 = arith.index_cast %swap3A_175 : i32 to index
    %swap3A_177 = arith.constant 32 : index
    %swap3A_178 = tpu.vector_load %arg10[%swap3A_176, %swap3A_177] {strides = array<i32>} : memref<2x80xi32, #tpu.memory_space<vmem>>, vector<1x16xi32>,
    %swap3A_179 = vector.shape_cast %swap3A_178 : vector<1x16xi32> to vector<16xi32>
    %swap3A_180 = vector.shape_cast %get3A_174 : vector<16xi32> to vector<1x16xi32>
    tpu.vector_store %arg10[%swap3A_176, %swap3A_177], %swap3A_180 {strides = array<i32>} : memref<2x80xi32, #tpu.memory_space<vmem>>, vector<1x16xi32>,
    %get3A_181 = arith.constant 0 : i32
    %get3A_182 = arith.index_cast %get3A_181 : i32 to index
    %get3A_183 = arith.constant 48 : index
    %get3A_184 = tpu.vector_load %arg9[%get3A_182, %get3A_183] {strides = array<i32>} : memref<2x80xi32, #tpu.memory_space<vmem>>, vector<1x16xi32>,
    %get3A_185 = vector.shape_cast %get3A_184 : vector<1x16xi32> to vector<16xi32>
    %swap3A_186 = arith.constant 0 : i32
    %swap3A_187 = arith.index_cast %swap3A_186 : i32 to index
    %swap3A_188 = arith.constant 48 : index
    %swap3A_189 = tpu.vector_load %arg10[%swap3A_187, %swap3A_188] {strides = array<i32>} : memref<2x80xi32, #tpu.memory_space<vmem>>, vector<1x16xi32>,
    %swap3A_190 = vector.shape_cast %swap3A_189 : vector<1x16xi32> to vector<16xi32>
    %swap3A_191 = vector.shape_cast %get3A_185 : vector<16xi32> to vector<1x16xi32>
    tpu.vector_store %arg10[%swap3A_187, %swap3A_188], %swap3A_191 {strides = array<i32>} : memref<2x80xi32, #tpu.memory_space<vmem>>, vector<1x16xi32>,
    %get3A_192 = arith.constant 0 : i32
    %get3A_193 = arith.index_cast %get3A_192 : i32 to index
    %get3A_194 = arith.constant 64 : index
    %get3A_195 = tpu.vector_load %arg9[%get3A_193, %get3A_194] {strides = array<i32>} : memref<2x80xi32, #tpu.memory_space<vmem>>, vector<1x16xi32>,
    %get3A_196 = vector.shape_cast %get3A_195 : vector<1x16xi32> to vector<16xi32>
    %swap3A_197 = arith.constant 0 : i32
    %swap3A_198 = arith.index_cast %swap3A_197 : i32 to index
    %swap3A_199 = arith.constant 64 : index
    %swap3A_200 = tpu.vector_load %arg10[%swap3A_198, %swap3A_199] {strides = array<i32>} : memref<2x80xi32, #tpu.memory_space<vmem>>, vector<1x16xi32>,
    %swap3A_201 = vector.shape_cast %swap3A_200 : vector<1x16xi32> to vector<16xi32>
    %swap3A_202 = vector.shape_cast %get3A_196 : vector<16xi32> to vector<1x16xi32>
    tpu.vector_store %arg10[%swap3A_198, %swap3A_199], %swap3A_202 {strides = array<i32>} : memref<2x80xi32, #tpu.memory_space<vmem>>, vector<1x16xi32>,
    %dma_start3A_203 = arith.constant 0 : i32
    %dma_start3A_204 = arith.constant 0 : i32
    %dma_start3A_205 = arith.constant 0 : i32
    %dma_start3A_206 = arith.constant 0 : i32
    %dma_start3A_207 = tpu.memref_slice %arg11[%dma_start3A_203, %dma_start3A_205, %dma_start3A_206] : memref<2x80x128xf32, #tpu.memory_space<vmem>> -> memref<1x80x128xf32, #tpu.memory_space<vmem>>
    %dma_start3A_208 = tpu.memref_squeeze %dma_start3A_207 : memref<1x80x128xf32, #tpu.memory_space<vmem>> -> memref<80x128xf32, #tpu.memory_space<vmem>>
    %dma_start3A_209 = arith.constant 0 : i32
    %dma_start3A_210 = tpu.memref_slice %arg10[%dma_start3A_204, %dma_start3A_209] : memref<2x80xi32, #tpu.memory_space<vmem>> -> memref<1x80xi32, #tpu.memory_space<vmem>>
    %dma_start3A_211 = tpu.memref_squeeze %dma_start3A_210 : memref<1x80xi32, #tpu.memory_space<vmem>> -> memref<80xi32, #tpu.memory_space<vmem>>
    %dma_start3A_212 = arith.constant 0 : i32
    %dma_start3A_213 = arith.constant 0 : i32
    %dma_start3A_214 = tpu.memref_slice %arg13[%dma_start3A_212, %dma_start3A_213] : memref<10000x128xf32, #tpu.memory_space<vmem_shared>> -> memref<10000x128xf32, #tpu.memory_space<vmem_shared>>
    tpu.enqueue_indirect_dma source(%dma_start3A_208 : memref<80x128xf32, #tpu.memory_space<vmem>>) target(%dma_start3A_214 : memref<10000x128xf32, #tpu.memory_space<vmem_shared>>) offsets(%dma_start3A_211 : memref<80xi32, #tpu.memory_space<vmem>>) semaphore(%arg18 : memref<!tpu.dma_semaphore, #tpu.memory_space<semaphore_mem>>) {add = true}
    %dma_wait3A_215 = arith.constant 0 : i32
    %dma_wait3A_216 = arith.constant 0 : i32
    %dma_wait3A_217 = arith.constant 0 : i32
    %dma_wait3A_218 = tpu.memref_slice %arg11[%dma_wait3A_215, %dma_wait3A_216, %dma_wait3A_217] : memref<2x80x128xf32, #tpu.memory_space<vmem>> -> memref<1x80x128xf32, #tpu.memory_space<vmem>>
    %dma_wait3A_219 = tpu.memref_squeeze %dma_wait3A_218 : memref<1x80x128xf32, #tpu.memory_space<vmem>> -> memref<80x128xf32, #tpu.memory_space<vmem>>
    %dma_wait3A_220 = arith.constant 0 : i32
    %dma_wait3A_221 = arith.constant 0 : i32
    %dma_wait3A_222 = tpu.memref_slice %arg2[%dma_wait3A_220, %dma_wait3A_221] : memref<10000x128xf32, #tpu.memory_space<hbm>> -> memref<80x128xf32, #tpu.memory_space<hbm>>
    %dma_wait3A_223 = arith.constant 0 : i32
    %dma_wait3A_224 = arith.constant 0 : i32
    %dma_wait3A_225 = tpu.memref_slice %arg11[%dma_wait3A_215, %dma_wait3A_223, %dma_wait3A_224] : memref<2x80x128xf32, #tpu.memory_space<vmem>> -> memref<1x80x128xf32, #tpu.memory_space<vmem>>
    %dma_wait3A_226 = tpu.memref_squeeze %dma_wait3A_225 : memref<1x80x128xf32, #tpu.memory_space<vmem>> -> memref<80x128xf32, #tpu.memory_space<vmem>>
    %dma_wait3A_227 = arith.constant 0 : i32
    %dma_wait3A_228 = arith.constant 0 : i32
    %dma_wait3A_229 = tpu.memref_slice %arg2[%dma_wait3A_227, %dma_wait3A_228] : memref<10000x128xf32, #tpu.memory_space<hbm>> -> memref<80x128xf32, #tpu.memory_space<hbm>>
    tpu.wait_dma2 semaphore(%arg18 : memref<!tpu.dma_semaphore, #tpu.memory_space<semaphore_mem>>) src(%dma_wait3A_229 : memref<80x128xf32, #tpu.memory_space<hbm>>) dst(%dma_wait3A_226 : memref<80x128xf32, #tpu.memory_space<vmem>>)
    %dma_wait3A_230 = arith.constant 1 : i32
    %dma_wait3A_231 = arith.constant 0 : i32
    %dma_wait3A_232 = arith.constant 0 : i32
    %dma_wait3A_233 = tpu.memref_slice %arg11[%dma_wait3A_230, %dma_wait3A_231, %dma_wait3A_232] : memref<2x80x128xf32, #tpu.memory_space<vmem>> -> memref<1x80x128xf32, #tpu.memory_space<vmem>>
    %dma_wait3A_234 = tpu.memref_squeeze %dma_wait3A_233 : memref<1x80x128xf32, #tpu.memory_space<vmem>> -> memref<80x128xf32, #tpu.memory_space<vmem>>
    %dma_wait3A_235 = arith.constant 0 : i32
    %dma_wait3A_236 = arith.constant 0 : i32
    %dma_wait3A_237 = tpu.memref_slice %arg2[%dma_wait3A_235, %dma_wait3A_236] : memref<10000x128xf32, #tpu.memory_space<hbm>> -> memref<80x128xf32, #tpu.memory_space<hbm>>
    %dma_wait3A_238 = arith.constant 0 : i32
    %dma_wait3A_239 = arith.constant 0 : i32
    %dma_wait3A_240 = tpu.memref_slice %arg11[%dma_wait3A_230, %dma_wait3A_238, %dma_wait3A_239] : memref<2x80x128xf32, #tpu.memory_space<vmem>> -> memref<1x80x128xf32, #tpu.memory_space<vmem>>
    %dma_wait3A_241 = tpu.memref_squeeze %dma_wait3A_240 : memref<1x80x128xf32, #tpu.memory_space<vmem>> -> memref<80x128xf32, #tpu.memory_space<vmem>>
    %dma_wait3A_242 = arith.constant 0 : i32
    %dma_wait3A_243 = arith.constant 0 : i32
    %dma_wait3A_244 = tpu.memref_slice %arg2[%dma_wait3A_242, %dma_wait3A_243] : memref<10000x128xf32, #tpu.memory_space<hbm>> -> memref<80x128xf32, #tpu.memory_space<hbm>>
    tpu.wait_dma2 semaphore(%arg19 : memref<!tpu.dma_semaphore, #tpu.memory_space<semaphore_mem>>) src(%dma_wait3A_244 : memref<80x128xf32, #tpu.memory_space<hbm>>) dst(%dma_wait3A_241 : memref<80x128xf32, #tpu.memory_space<vmem>>)
    %barrier3A_245 = arith.constant 0 : index
    tpu.barrier barrier_id(%barrier3A_245)
    %lt3A_246 = arith.constant 15 : i32
    %lt3A_247 = arith.cmpi slt, %arg1, %lt3A_246 : i32
    %convert_element_type3A_248 = arith.extui %lt3A_247 : i1 to i32
    %cond3A_249 = arith.constant 0 : i32
    %cond3A_250 = arith.cmpi ne, %convert_element_type3A_248, %cond3A_249 : i32
    scf.if %cond3A_250 {
      "tpu.region"() ({
        %run_scoped3A = tpu.sem_alloc : memref<!tpu.dma_semaphore, #tpu.memory_space<semaphore_mem>>
        %dma_start3A_256 = arith.constant 0 : i32
        %dma_start3A_257 = tpu.memref_slice %arg7[%arg0, %mul3A_2, %dma_start3A_256] : memref<2x10000x128xf32, #tpu.memory_space<hbm>> -> memref<1x632x128xf32, #tpu.memory_space<hbm>>
        %dma_start3A_258 = tpu.memref_squeeze %dma_start3A_257 : memref<1x632x128xf32, #tpu.memory_space<hbm>> -> memref<632x128xf32, #tpu.memory_space<hbm>>
        %dma_start3A_259 = arith.constant 0 : i32
        %dma_start3A_260 = tpu.memref_slice %arg13[%mul3A_2, %dma_start3A_259] : memref<10000x128xf32, #tpu.memory_space<vmem_shared>> -> memref<632x128xf32, #tpu.memory_space<vmem_shared>>
        tpu.enqueue_dma source(%dma_start3A_260 : memref<632x128xf32, #tpu.memory_space<vmem_shared>>) target(%dma_start3A_258 : memref<632x128xf32, #tpu.memory_space<hbm>>) target_semaphore(%run_scoped3A : memref<!tpu.dma_semaphore, #tpu.memory_space<semaphore_mem>>)
        %dma_wait3A_261 = arith.constant 0 : i32
        %dma_wait3A_262 = tpu.memref_slice %arg7[%arg0, %mul3A_2, %dma_wait3A_261] : memref<2x10000x128xf32, #tpu.memory_space<hbm>> -> memref<1x632x128xf32, #tpu.memory_space<hbm>>
        %dma_wait3A_263 = tpu.memref_squeeze %dma_wait3A_262 : memref<1x632x128xf32, #tpu.memory_space<hbm>> -> memref<632x128xf32, #tpu.memory_space<hbm>>
        %dma_wait3A_264 = arith.constant 0 : i32
        %dma_wait3A_265 = tpu.memref_slice %arg13[%mul3A_2, %dma_wait3A_264] : memref<10000x128xf32, #tpu.memory_space<vmem_shared>> -> memref<632x128xf32, #tpu.memory_space<vmem_shared>>
        tpu.wait_dma2 semaphore(%run_scoped3A : memref<!tpu.dma_semaphore, #tpu.memory_space<semaphore_mem>>) src(%dma_wait3A_265 : memref<632x128xf32, #tpu.memory_space<vmem_shared>>) dst(%dma_wait3A_263 : memref<632x128xf32, #tpu.memory_space<hbm>>)
        tpu.yield
      }) : () -> ()
    } else {
    }
    %eq3A_251 = arith.constant 15 : i32
    %eq3A_252 = arith.cmpi eq, %arg1, %eq3A_251 : i32
    %convert_element_type3A_253 = arith.extui %eq3A_252 : i1 to i32
    %cond3A_254 = arith.constant 0 : i32
    %cond3A_255 = arith.cmpi ne, %convert_element_type3A_253, %cond3A_254 : i32
    scf.if %cond3A_255 {
      "tpu.region"() ({
        %run_scoped3A = tpu.sem_alloc : memref<!tpu.dma_semaphore, #tpu.memory_space<semaphore_mem>>
        %dma_start3A_256 = arith.constant 9480 : i32
        %dma_start3A_257 = arith.constant 0 : i32
        %dma_start3A_258 = tpu.memref_slice %arg7[%arg0, %dma_start3A_256, %dma_start3A_257] : memref<2x10000x128xf32, #tpu.memory_space<hbm>> -> memref<1x520x128xf32, #tpu.memory_space<hbm>>
        %dma_start3A_259 = tpu.memref_squeeze %dma_start3A_258 : memref<1x520x128xf32, #tpu.memory_space<hbm>> -> memref<520x128xf32, #tpu.memory_space<hbm>>
        %dma_start3A_260 = arith.constant 9480 : i32
        %dma_start3A_261 = arith.constant 0 : i32
        %dma_start3A_262 = tpu.memref_slice %arg13[%dma_start3A_260, %dma_start3A_261] : memref<10000x128xf32, #tpu.memory_space<vmem_shared>> -> memref<520x128xf32, #tpu.memory_space<vmem_shared>>
        tpu.enqueue_dma source(%dma_start3A_262 : memref<520x128xf32, #tpu.memory_space<vmem_shared>>) target(%dma_start3A_259 : memref<520x128xf32, #tpu.memory_space<hbm>>) target_semaphore(%run_scoped3A : memref<!tpu.dma_semaphore, #tpu.memory_space<semaphore_mem>>)
        %dma_wait3A_263 = arith.constant 9480 : i32
        %dma_wait3A_264 = arith.constant 0 : i32
        %dma_wait3A_265 = tpu.memref_slice %arg7[%arg0, %dma_wait3A_263, %dma_wait3A_264] : memref<2x10000x128xf32, #tpu.memory_space<hbm>> -> memref<1x520x128xf32, #tpu.memory_space<hbm>>
        %dma_wait3A_266 = tpu.memref_squeeze %dma_wait3A_265 : memref<1x520x128xf32, #tpu.memory_space<hbm>> -> memref<520x128xf32, #tpu.memory_space<hbm>>
        %dma_wait3A_267 = arith.constant 9480 : i32
        %dma_wait3A_268 = arith.constant 0 : i32
        %dma_wait3A_269 = tpu.memref_slice %arg13[%dma_wait3A_267, %dma_wait3A_268] : memref<10000x128xf32, #tpu.memory_space<vmem_shared>> -> memref<520x128xf32, #tpu.memory_space<vmem_shared>>
        tpu.wait_dma2 semaphore(%run_scoped3A : memref<!tpu.dma_semaphore, #tpu.memory_space<semaphore_mem>>) src(%dma_wait3A_269 : memref<520x128xf32, #tpu.memory_space<vmem_shared>>) dst(%dma_wait3A_266 : memref<520x128xf32, #tpu.memory_space<hbm>>)
        tpu.yield
      }) : () -> ()
    } else {
    }
    return
  }
}

</mosaic_0001>

<sc_bundles>
// kernel: _sc_gine_aggr.3.cloned.1.call-start
scs
__scs_entry_jumppad:
0x0: {  	(pc) =	sbr.rel $0x88, $3  }
0x1: {  	(tag) =	ssettag $0x0;
	lr =	simm.s32 $0x1  }
0x2: {  	[smem:$0x3F9C] =	sst lr;
	_ =	strace $0xD0000000  }
0x3: {  	_ = 	snop  }
0x4: {  	_ = 	snop  }
0x5: {  	_ = 	snop  }
0x6: {  	_ = 	snop  }
0x7: {  	_ = 	snop  }
__scs_overlays_trampoline_lowered:
0x8: {  	[smem:$0x3FAB] =	sst s0  }
0x9: {  	[smem:$0x3FAC] =	sst s1  }
0xa: {  	[smem:$0x3FAD] =	sst s2  }
0xb: {  	[smem:$0x3FAE] =	sst s3  }
0xc: {  	[smem:$0x3FAF] =	sst s4  }
0xd: {  	[smem:$0x3FB0] =	sst s5  }
0xe: {  	[smem:$0x3FB1] =	sst s6  }
0xf: {  	[smem:$0x3FB2] =	sst s7  }
0x10: {  	[smem:$0x3FB3] =	sst s8  }
0x11: {  	[smem:$0x3FB4] =	sst s9;
	s0 =	simm.s32 @!p0 $0x0  }
0x12: {  	s1 =	sld [smem:$0x3F9A];
	s0 =	simm.s32 @p0 $0x1  }
0x13: {  	[smem:$0x3FB5] =	sst s0;
	s0 =	simm.s32 @!p1 $0x0  }
0x14: {  	s2 =	sld [smem:$0x3F99];
	s0 =	simm.s32 @p1 $0x1  }
0x15: {  	[smem:$0x3FB6] =	sst s0;
	s0 =	simm.s32 @!p2 $0x0  }
0x16: {  	s3 =	sld [smem:$0x3FDB];
	s0 =	simm.s32 @p2 $0x1  }
0x17: {  	s4 =	simm.s32 $0x1BF5;
	[smem:$0x3FB8] =	sst s0  }
0x18: {  	s0 =	sld [smem:$0x3F9B];
	_ =	swait.ge [sflag:s4], $0x0  }
0x19: {  	s7 =	sld [smem:$0x3F9C]  }
0x1a: {  	s8 =	sadd.s32 $0xFFFFE003, lr  }
0x1b: {  	s9 =	sadd.s32 $0xFFFFFEF7, lr;
	s5 =	simm.s32 $0xFFFFFFFF;
	p2 =	slt.u32 s8, $0xFFFFF086  }
0x1c: {  	p1 =	slt.u32 s9, $0xF7A;
	s5 =	simm.s32 @!p2 $0x0  }
0x1d: {  	s5 =	simm.s32 @p1 $0x1;
	p0 =	seq.s32 s7, s2  }
0x1e: {  	s7 =	smul.u32 @!p0 $0xF7A, s2;
	p2 =	seq.s32 @!p0 s5, $0x0  }
0x1f: {  	s9 =	smul.u32 $0xF7A, s1;
	s8 =	simm.s32 @!p0 $0x1BF5;
	p2 =	por !p2, p0  }
0x20: {  	[sflag:s8] =	ssyncset.s32 @!p0 $0xFFFFF086;
	s6 =	sadd.s32 @!p0 s3, s7;
	s7 =	simm.s32 @!p0 $0x108  }
0x21: {  	s3 =	sadd.s32 s3, s9;
	s6 =	sadd.s32 @!p0 $0x88, s6;
	s7 =	simm.s32 @p2 $0x1082  }
0x22: {  	[simem:s7], [sflag:s8] =	dma.local @!p0 [hbm:s6], $0xF7A  }
0x23: {  	s9 =	sor.u32 $0xD0000000, s2;
	s6 =	simm.s32 $0x108;
	_ =	swait.ge @!p0 [sflag:s8], $0x0  }
0x24: {  	s3 =	sadd.s32 $0x88, s3;
	s6 =	simm.s32 @!p1 $0x1082;
	[sflag:s4] =	ssyncset.s32 $0xFFFFF086  }
0x25: {  	[simem:s6], [sflag:s4] =	dma.local [hbm:s3], $0xF7A  }
0x26: {  	[smem:$0x3F9C] =	sst s1;
	(tag) =	ssettag s2;
	_ =	strace s9  }
0x27: {  	s1 =	sld [smem:$0x3FAC]  }
0x28: {  	s2 =	sld [smem:$0x3FAD]  }
0x29: {  	s4 =	sld [smem:$0x3FAF]  }
0x2a: {  	p0 =	seq.s32 s5, $0x0;
	s5 =	sld [smem:$0x3FB0]  }
0x2b: {  	s6 =	sld [smem:$0x3FB1]  }
0x2c: {  	s7 =	sld [smem:$0x3FB2]  }
0x2d: {  	s3 =	simm.s32 $0x108;
	s8 =	sld [smem:$0x3FB3]  }
0x2e: {  	s3 =	simm.s32 @!p0 $0x1082;
	s9 =	sld [smem:$0x3FB4]  }
0x2f: {  	lr =	sadd.s32 s0, s3;
	s0 =	sld [smem:$0x3FAB]  }
0x30: {  	s3 =	sld [smem:$0x3FAE]  }
0x31: {  	[smem:$0x3FB7] =	sst s10  }
0x32: {  	s10 =	sld [smem:$0x3FB5];
	_ =	sdelay $0x3  }
0x33: {  	p0 =	seq.s32 s10, $0x1;
	s10 =	sld [smem:$0x3FB7];
	_ =	sdelay $0x3  }
0x34: {  	[smem:$0x3FB7] =	sst s10  }
0x35: {  	s10 =	sld [smem:$0x3FB6];
	_ =	sdelay $0x3  }
0x36: {  	p1 =	seq.s32 s10, $0x1;
	s10 =	sld [smem:$0x3FB7];
	_ =	sdelay $0x3  }
0x37: {  	[smem:$0x3FB7] =	sst s10  }
0x38: {  	s10 =	sld [smem:$0x3FB8]  }
0x39: {  	_ = 	snop;
	(pc) =	sbr.ind lr, $3  }
0x3a: {  	_ = 	snop  }
0x3b: {  	_ = 	snop  }
0x3c: {  	p2 =	seq.s32 s10, $0x1;
	s10 =	sld [smem:$0x3FB7]  }
0x3d: {  	_ =	shalt  }
0x3e: {  	_ =	shalt  }
0x3f: {  	_ =	shalt  }
0x40: {  	_ =	shalt  }
0x41: {  	_ =	shalt  }
0x42: {  	_ =	shalt  }
0x43: {  	_ =	shalt  }
0x44: {  	_ =	shalt  }
0x45: {  	_ =	shalt  }
0x46: {  	_ =	shalt  }
0x47: {  	_ =	shalt  }
0x48: {  	_ =	shalt  }
0x49: {  	_ =	shalt  }
0x4a: {  	_ =	shalt  }
0x4b: {  	_ =	shalt  }
0x4c: {  	_ =	shalt  }
0x4d: {  	_ =	shalt  }
0x4e: {  	_ =	shalt  }
0x4f: {  	_ =	shalt  }
0x50: {  	_ =	shalt  }
0x51: {  	_ =	shalt  }
0x52: {  	_ =	shalt  }
0x53: {  	_ =	shalt  }
0x54: {  	_ =	shalt  }
0x55: {  	_ =	shalt  }
0x56: {  	_ =	shalt  }
0x57: {  	_ =	shalt  }
0x58: {  	_ =	shalt  }
0x59: {  	_ =	shalt  }
0x5a: {  	_ =	shalt  }
0x5b: {  	_ =	shalt  }
0x5c: {  	_ =	shalt  }
0x5d: {  	_ =	shalt  }
0x5e: {  	_ =	shalt  }
0x5f: {  	_ =	shalt  }
0x60: {  	_ =	shalt  }
0x61: {  	_ =	shalt  }
0x62: {  	_ =	shalt  }
0x63: {  	_ =	shalt  }
0x64: {  	_ =	shalt  }
0x65: {  	_ =	shalt  }
0x66: {  	_ =	shalt  }
0x67: {  	_ =	shalt  }
0x68: {  	_ =	shalt  }
0x69: {  	_ =	shalt  }
0x6a: {  	_ =	shalt  }
0x6b: {  	_ =	shalt  }
0x6c: {  	_ =	shalt  }
0x6d: {  	_ =	shalt  }
0x6e: {  	_ =	shalt  }
0x6f: {  	_ =	shalt  }
0x70: {  	_ =	shalt  }
0x71: {  	_ =	shalt  }
0x72: {  	_ =	shalt  }
0x73: {  	_ =	shalt  }
0x74: {  	_ =	shalt  }
0x75: {  	_ =	shalt  }
0x76: {  	_ =	shalt  }
0x77: {  	_ =	shalt  }
0x78: {  	_ =	shalt  }
0x79: {  	_ =	shalt  }
0x7a: {  	_ =	shalt  }
0x7b: {  	_ =	shalt  }
0x7c: {  	_ =	shalt  }
0x7d: {  	_ =	shalt  }
0x7e: {  	_ =	shalt  }
0x7f: {  	_ =	shalt  }
0x80: {  	_ =	shalt  }
0x81: {  	_ =	shalt  }
0x82: {  	_ =	shalt  }
0x83: {  	_ =	shalt  }
0x84: {  	_ =	shalt  }
0x85: {  	_ =	shalt  }
0x86: {  	_ =	shalt  }
0x87: {  	_ =	shalt  }
.Lfunc_end0:
.L_simem_size_0:
called_computation_lowered:
.L_overlay_start_0:
0x88: {  	s2 =	sld [smem:$0x3FD9]  }
0x89: {  	s3 =	sld [smem:$0x3FFE];
	_ =	sdelay $0x1  }
0x8a: {  	s1 =	srdreg.scid  }
0x8b: {  	s0 =	sand.u32 $0x1, s1  }
0x8c: {  	s18 =	sshll.u32 s0, $0xA;
	s2 =	sadd.s32 s3, s2  }
0x8d: {  	s2 =	sadd.s32 s2, s18  }
0x8e: {  	[smem:$0x3FC3] =	sst s2  }
0x8f: {  	_ = 	snop  }
0x90: {  	s2 =	sld [smem:$0x3FC9]  }
0x91: {  	s19 =	sld [smem:$0x3FC8]  }
0x92: {  	s4 =	sld [smem:$0x3FC7]  }
0x93: {  	s5 =	sld [smem:$0x3FC6]  }
0x94: {  	s6 =	sld [smem:$0x3FC5]  }
0x95: {  	s7 =	sld [smem:$0x3FD0];
	(tm) =	ssettm $0x1  }
0x96: {  	s8 =	sld [smem:$0x3FFB];
	_ =	sdelay $0x3  }
0x97: {  	_ =	strace s8  }
0x98: {  	s8 =	sld [smem:$0x3FFC];
	_ =	sdelay $0x3  }
0x99: {  	_ =	strace s8  }
0x9a: {  	s8 =	sld [smem:$0x3FFD];
	_ =	sdelay $0x3  }
0x9b: {  	_ =	strace s8  }
0x9c: {  	_ =	strace $0x8FFFFFFF  }
0x9d: {  	s20 =	sld [smem:$0x3FDB];
	_ =	sdelay $0x1  }
0x9e: {  	s9 =	simm.s32 $_scs_section_size  }
0x9f: {  	s10 =	simm.s32 $_size__tile_overlayer_lowered;
	s11 =	simm.s32 $_tile_overlayer_lowered  }
0xa0: {  	s23 =	simm.s32 $0x1BFF;
	s22 =	sshll.u32 s11, $0x1;
	s8 =	sadd.s32 s9, s20  }
0xa1: {  	s12 =	simm.s32 $0x0;
	s21 =	sshll.u32 s10, $0x1;
	s10 =	sadd.s32 s22, s8  }
0xa2: {  	[timem:s12], [sflag:s23] =	dma.local [hbm:s10], s21  }
0xa3: {  	_ =	swait.ge [sflag:s23], s21  }
0xa4: {  	s9 =	ssub.s32 $0x0, s21;
	[sflag:s23] =	ssyncset.done $0x0  }
0xa5: {  	[sflag:s23] =	ssyncadd.s32 s9;
	_ =	sdelay $0x1  }
0xa6: {  	s24 =	simm.s32 $0x1B8B  }
0xa7: {  	_ =	swait.ge [sflag:s24], $0x1  }
0xa8: {  	[sflag:s24] =	ssyncset.done $0x0  }
0xa9: {  	s25 =	simm.s32 $0x1B8E;
	[sflag:s24] =	ssyncadd.s32 $0xFFFFFFFF  }
0xaa: {  	s26 =	simm.s32 $execute0_lowered;
	[smem:$0x3FD2] =	sst s25  }
0xab: {  	s9 =	sshll.u32 s26, $0x1;
	_ =	strace $0x80000046;
	[dreg:$0x1] =	wrdreg $0xFFFFFFFF  }
0xac: {  	s28 =	simm.s32 $_size_execute0_lowered;
	s8 =	sadd.s32 s8, s9;
	[dreg:$0x0] =	wrdreg $0x0  }
0xad: {  	s9 =	sshll.u32 s28, $0x1;
	[dreg:$0x2] =	wrdreg s8  }
0xae: {  	[dreg:$0x3] =	wrdreg s9  }
0xaf: {  	[dreg:$0x4] =	wrdreg $0xC0  }
0xb0: {  	_ =	task [dreg:s12], $0x5FFFF  }
0xb1: {  	[dreg:$0x1] =	wrdreg $0xFFFFFFFF  }
0xb2: {  	[dreg:$0x0] =	wrdreg $0x60  }
0xb3: {  	[dreg:$0x2] =	wrdreg s2  }
0xb4: {  	[dreg:$0x3] =	wrdreg s19  }
0xb5: {  	[dreg:$0x4] =	wrdreg s4  }
0xb6: {  	[dreg:$0x5] =	wrdreg s5  }
0xb7: {  	[dreg:$0x6] =	wrdreg s6  }
0xb8: {  	[dreg:$0x7] =	wrdreg s7  }
0xb9: {  	[dreg:$0x8] =	wrdreg $0xA1E00  }
0xba: {  	[dreg:$0x9] =	wrdreg $0x9  }
0xbb: {  	_ =	task.clear_ibuf [dreg:s12], $0xAFFFF;
	_ =	strace $0x90000046  }
0xbc: {  	s29 =	simm.s32 $0x9;
	_ =	strace $0x80000048  }
0xbd: {  	_ =	swait.ge [sflag:s29], $0x1  }
0xbe: {  	[sflag:s29] =	ssyncadd.s32 $0xFFFFFFFF  }
0xbf: {  	_ =	strace $0x90000048  }
0xc0: {  	_ =	sfence  }
0xc1: {  	s30 =	sld [smem:$0x0];
	_ =	sdelay $0x2  }
0xc2: {  	s31 =	sshll.u32 s1, $0xD;
	s1 =	sshrl.u32 s1, $0x2  }
0xc3: {  	s3 =	sand.u32 $0x4000, s31;
	s1 =	sadd.s32 s1, s30  }
0xc4: {  	s0 =	sor.u32 s3, s0;
	s1 =	sshll.u32 s1, $0x11  }
0xc5: {  	s0 =	sor.u32 s1, s0  }
0xc6: {  	s0 =	sadd.s32 $0x8F2B, s0  }
0xc7: {  	[sflag:s0] =	ssyncadd.remote.s32 $0x1  }
0xc8: {  	_ =	sfence.sel $0xFFFF  }
0xc9: {  	[dreg:$0x0] =	wrdreg $0xFFFFFFFF;
	(pc) =	sbr.abs _section_cstart, $3  }
0xca: {  	[dreg:$0x1] =	wrdreg $0xFFFFFFFF  }
0xcb: {  	_ =	task.clear_ibuf [dreg:s12], $0x2FFFF;
	_ =	strace $0x9FFFFFFF  }
0xcc: {  	(tm) =	ssettm $0x7FFFFFFF  }
0xcd: {  	_ =	shalt  }
tec
execute0_lowered:
.L_overlay_start_1:
0x0: {  	(tag) =	ssettag $0x1  }
0x1: {  	s0 =	rddreg [dreg:$0x0]  }
0x2: {  	s2 =	rddreg [dreg:$0x1]  }
0x3: {  	s3 =	rddreg [dreg:$0x2]  }
0x4: {  	s4 =	rddreg [dreg:$0x3]  }
0x5: {  	s1 =	rddreg [dreg:$0x4]  }
0x6: {  	s6 =	rddreg [dreg:$0x5]  }
0x7: {  	s5 =	rddreg [dreg:$0x6];
	s7 =	simm.s32 $0x0;
	s8 =	srdreg.scid  }
0x8: {  	s14 =	stileid.u32;
	s28 =	simm.s32 $0x79E0;
	s29 =	simm.s32 $0x1  }
0x9: {  	s30 =	simm.s32 $0x1E0;
	s31 =	simm.s32 $0x3;
	[smem:$0x7FF] =	sst s7  }
0xa: {  	s8 =	sand.u32 $0x1, s8;
	s10 =	sshll.u32 s14, $0x1;
	s11 =	smul.u32 $0x13C00, s14  }
0xb: {  	s18 =	sadd.s32 $0x128400, s5;
	p0 =	seq.s32 s14, $0xF;
	s9 =	ssub.s32 $0x2, s8  }
0xc: {  	_ =	strace $0x80000047;
	s10 =	sor.u32 s8, s10;
	s8 =	smul.u32 $0x138800, s8  }
0xd: {  	[dreg:$0xa] =	wrdreg s18;
	s12 =	sshrl.u32 s9, $0x1;
	s13 =	smul.u32 $0x2710, s10  }
0xe: {  	s17 =	sshrl.u32 s11, $0x3;
	s15 =	sadd.s32 s11, s5;
	s10 =	smul.u32 $0x27100, s10  }
0xf: {  	s9 =	ssub.s32 s9, s12;
	[dreg:$0x8] =	wrdreg s15;
	s12 =	sadd.s32 s1, s17  }
0x10: {  	s1 =	sadd.s32 $0x25080, s1;
	s24 =	sadd.s32 s11, s8;
	[dreg:$0x9] =	wrdreg s12  }
0x11: {  	s8 =	sshrl.u32 s8, $0x3;
	s11 =	simm.s32 $0x190;
	[dreg:$0xb] =	wrdreg s1  }
0x12: {  	s19 =	sshrl.u32 s13, $0x3;
	s21 =	sadd.s32 $0x50, s13;
	s10 =	sadd.s32 s4, s10  }
0x13: {  	s18 =	sadd.s32 $0xA0, s13;
	s8 =	sadd.s32 s6, s8;
	s26 =	smax.u32 s9, $0x1  }
0x14: {  	s9 =	simm.s32 $0x4;
	s20 =	sadd.s32 s2, s19;
	[dreg:$0xe] =	wrdreg s10  }
0x15: {  	s1 =	sadd.s32 s3, s19;
	s22 =	sshrl.u32 s21, $0x3;
	[dreg:$0x14] =	wrdreg s26  }
0x16: {  	s19 =	sadd.s32 $0xF0, s13;
	s25 =	sadd.s32 $0x25080, s8;
	[dreg:$0xc] =	wrdreg s20  }
0x17: {  	s26 =	simm.s32 $0xF0;
	s8 =	simm.s32 $0x140;
	[dreg:$0xd] =	wrdreg s1  }
0x18: {  	s13 =	simm.s32 $0x0;
	s23 =	sadd.s32 s2, s22;
	[dreg:$0x13] =	wrdreg s25  }
0x19: {  	s10 =	sadd.s32 s3, s22;
	s1 =	sshll.u32 s21, $0x4;
	[dreg:$0xf] =	wrdreg s23  }
0x1a: {  	s25 =	simm.s32 $0x50;
	[dreg:$0x10] =	wrdreg s10;
	s1 =	sadd.s32 s4, s1  }
0x1b: {  	s23 =	simm.s32 $0xA0;
	[dreg:$0x11] =	wrdreg s1;
	s1 =	sshrl.u32 s24, $0x3  }
0x1c: {  	s10 =	simm.s32 $0x5;
	s24 =	simm.s32 $0x51E0;
	s1 =	sadd.s32 s6, s1  }
0x1d: {  	s6 =	simm.s32 $0x29E0;
	[dreg:$0x12] =	wrdreg s1;
	s1 =	simm.s32 $0x2  }
.LBB2_1:
0x1e: {  	s12 =	rddreg [dreg:$0xa]  }
0x1f: {  	s14 =	sshrl.u32 @p0 s12, $0x3;
	s12 =	rddreg [dreg:$0xb]  }
0x20: {  	s15 =	simm.s32 @p0 $0x1FC7;
	[dreg:$0x15] =	wrdreg s14  }
0x21: {  	[spmem:s14], [sflag:s15] =	dma.local @p0 [hbm:s12], $0x2080  }
0x22: {  	s15 =	simm.s32 @p0 $0x7  }
0x23: {  	_ =	swait.ge @p0 [sflag:s15], $0x2080  }
0x24: {  	s17 =	simm.s32 @!p0 $0x7;
	s12 =	stileid.u32;
	[sflag:s15] =	ssyncset.done @p0 $0x0  }
0x25: {  	s16 =	sshll.u32 @!p0 s12, $0x6;
	s12 =	rddreg [dreg:$0x8];
	[sflag:s15] =	ssyncadd.s32 @p0 $0xFFFFDF80  }
0x26: {  	s15 =	sor.u32 @!p0 $0x1C07, s16;
	s16 =	sshrl.u32 @!p0 s12, $0x3;
	s12 =	rddreg [dreg:$0x9]  }
0x27: {  	[spmem:s16], [sflag:s15] =	dma.local @!p0 [hbm:s12], $0x2780  }
0x28: {  	_ =	swait.ge @!p0 [sflag:s17], $0x2780  }
0x29: {  	[sflag:s17] =	ssyncset.done @!p0 $0x0  }
0x2a: {  	[sflag:s17] =	ssyncadd.s32 @!p0 $0xFFFFD880  }
0x2b: {  	[bflag:$0x0] =	sbarrier.arrive $0xFFFF  }
0x2c: {  	s22 =	rddreg [dreg:$0xc]  }
0x2d: {  	[tilespmem:s7], [sflag:$0x1] =	stream.linear.gather [hbm4b:s22+s7], $0x50, $0x38;
	[tilespmem:$0x1DA60] =	vst v63  }
0x2e: {  	s14 =	rddreg [dreg:$0xd]  }
0x2f: {  	[tilespmem:s23], [sflag:$0x1] =	stream.linear.gather [hbm4b:s14+s7], $0x50, $0x38;
	[tilespmem:$0x1DA60] =	vst v63  }
0x30: {  	s17 =	rddreg [dreg:$0xe]  }
0x31: {  	[tilespmem:s24], [sflag:$0x1] =	stream.linear.gather [hbm4b:s17+s7], $0x2800, $0x38;
	[tilespmem:$0x1DA60] =	vst v63  }
0x32: {  	s20 =	rddreg [dreg:$0xf]  }
0x33: {  	[tilespmem:s25], [sflag:$0x2] =	stream.linear.gather [hbm4b:s20+s7], $0x50, $0x38;
	[tilespmem:$0x1DA60] =	vst v63  }
0x34: {  	s21 =	rddreg [dreg:$0x10]  }
0x35: {  	[tilespmem:s26], [sflag:$0x2] =	stream.linear.gather [hbm4b:s21+s7], $0x50, $0x38;
	[tilespmem:$0x1DA60] =	vst v63  }
0x36: {  	s22 =	rddreg [dreg:$0x11]  }
0x37: {  	[tilespmem:s28], [sflag:$0x2] =	stream.linear.gather [hbm4b:s22+s7], $0x2800, $0x38;
	[tilespmem:$0x1DA60] =	vst v63  }
0x38: {  	_ =	swait.ge [sflag:s29], $0x50  }
0x39: {  	[sflag:s29] =	ssyncset.done $0x0  }
0x3a: {  	[sflag:s29] =	ssyncadd.s32 $0xFFFFFFB0  }
0x3b: {  	_ =	swait.ge [sflag:s29], $0x50  }
0x3c: {  	[sflag:s29] =	ssyncset.done $0x0  }
0x3d: {  	[sflag:s29] =	ssyncadd.s32 $0xFFFFFFB0  }
0x3e: {  	_ =	swait.ge [sflag:s29], $0x2800  }
0x3f: {  	[sflag:s29] =	ssyncset.done $0x0  }
0x40: {  	s17 =	simm.s32 $0x0;
	[sflag:s29] =	ssyncadd.s32 $0xFFFFD800  }
0x41: {  	[tilespmem:s30], [sflag:$0x3] =	stream.indirect.gather [hbm4b:s0+s25], $0x80, s7, s25, $0xb8;
	[tilespmem:$0x1DA60] =	vst v63  }
.LBB2_2:
0x42: {  	_ =	swait.ge [sflag:s31], $0x2800  }
0x43: {  	[sflag:s31] =	ssyncset.done $0x0  }
0x44: {  	[sflag:s31] =	ssyncadd.s32 $0xFFFFD800  }
0x45: {  	_ =	swait.ge [sflag:s1], $0x50  }
0x46: {  	[sflag:s1] =	ssyncset.done $0x0  }
0x47: {  	[sflag:s1] =	ssyncadd.s32 $0xFFFFFFB0  }
0x48: {  	_ =	swait.ge [sflag:s1], $0x50  }
0x49: {  	[sflag:s1] =	ssyncset.done $0x0  }
0x4a: {  	[sflag:s1] =	ssyncadd.s32 $0xFFFFFFB0  }
0x4b: {  	_ =	swait.ge [sflag:s1], $0x2800  }
0x4c: {  	p1 =	seq.s32 s17, $0x0;
	[sflag:s1] =	ssyncset.done $0x0  }
0x4d: {  	s20 =	simm.s32 @!p1 $0x6;
	[sflag:s1] =	ssyncadd.s32 $0xFFFFD800  }
0x4e: {  	_ =	swait.ge @!p1 [sflag:s20], $0x2800  }
0x4f: {  	[sflag:s20] =	ssyncset.done @!p1 $0x0  }
0x50: {  	[sflag:s20] =	ssyncadd.s32 @!p1 $0xFFFFD800;
	s20 =	simm.s32 $0x0  }
0x51: {  	[tilespmem:s6], [sflag:$0x4] =	stream.indirect.gather [hbm4b:s0+s25], $0x80, s25, s25, $0xb8;
	[tilespmem:$0x1DA60] =	vst v63  }
0x52: {  	v6 =	vld [tilespmem:s20+$0x51E0]  }
0x53: {  	v11 =	vld [tilespmem:s20+$0x51F0]  }
0x54: {  	v5 =	vld [tilespmem:s20+$0x5200]  }
0x55: {  	v4 =	vld [tilespmem:s20+$0x5210]  }
0x56: {  	v3 =	vld [tilespmem:s20+$0x5220]  }
0x57: {  	v2 =	vld [tilespmem:s20+$0x5230]  }
0x58: {  	v1 =	vld [tilespmem:s20+$0x5240]  }
0x59: {  	v0 =	vld [tilespmem:s20+$0x5250]  }
0x5a: {  	v12 =	vld [tilespmem:s20+$0x1E0]  }
0x5b: {  	v13 =	vld [tilespmem:s20+$0x1F0]  }
0x5c: {  	v10 =	vld [tilespmem:s20+$0x200]  }
0x5d: {  	v9 =	vld [tilespmem:s20+$0x210]  }
0x5e: {  	v8 =	vld [tilespmem:s20+$0x220]  }
0x5f: {  	v7 =	vld [tilespmem:s20+$0x230];
	v12 =	vadd.f32 v6, v12  }
0x60: {  	s21 =	simm.s32 $0x200;
	v11 =	vadd.f32 v11, v13;
	v6 =	vld [tilespmem:s20+$0x240]  }
.LBB2_3:
0x61: {  	s22 =	sshra.s32 s21, $0x2;
	p1 =	sne.s32 s21, $0x9E00;
	v12 =	vmax.f32 v12, $0.0e+00;
	v5 =	vadd.f32 v5, v10;
	v10 =	vld [tilespmem:s20+$0x250]  }
0x62: {  	v13 =	vld [tilespmem:s22+$0x51E0];
	[tilespmem:s20+$0x1E0] =	vst v12;
	v11 =	vmax.f32 v11, $0.0e+00;
	v4 =	vadd.f32 v4, v9  }
0x63: {  	v14 =	vld [tilespmem:s22+$0x51F0];
	[tilespmem:s20+$0x1F0] =	vst v11;
	v9 =	vmax.f32 v5, $0.0e+00;
	v3 =	vadd.f32 v3, v8  }
0x64: {  	v5 =	vld [tilespmem:s22+$0x5200];
	[tilespmem:s20+$0x200] =	vst v9;
	v8 =	vmax.f32 v4, $0.0e+00;
	v2 =	vadd.f32 v2, v7  }
0x65: {  	v4 =	vld [tilespmem:s22+$0x5210];
	[tilespmem:s20+$0x210] =	vst v8;
	v7 =	vmax.f32 v3, $0.0e+00;
	v1 =	vadd.f32 v1, v6  }
0x66: {  	v3 =	vld [tilespmem:s22+$0x5220];
	[tilespmem:s20+$0x220] =	vst v7;
	v6 =	vmax.f32 v2, $0.0e+00;
	v0 =	vadd.f32 v0, v10  }
0x67: {  	v2 =	vld [tilespmem:s22+$0x5230];
	[tilespmem:s20+$0x230] =	vst v6;
	v6 =	vmax.f32 v1, $0.0e+00  }
0x68: {  	v1 =	vld [tilespmem:s22+$0x5240];
	[tilespmem:s20+$0x240] =	vst v6;
	v6 =	vmax.f32 v0, $0.0e+00  }
0x69: {  	v0 =	vld [tilespmem:s22+$0x5250];
	[tilespmem:s20+$0x250] =	vst v6;
	s20 =	smov.u32 s22  }
0x6a: {  	v6 =	vld [tilespmem:s20+$0x1E0]  }
0x6b: {  	v11 =	vld [tilespmem:s20+$0x1F0]  }
.Ltmp0:
0x6c: {  	v10 =	vld [tilespmem:s20+$0x200];
	(pc) =	sbr.rel @p1 .LBB2_3-.Ltmp0, $4  }
0x6d: {  	v9 =	vld [tilespmem:s20+$0x210]  }
0x6e: {  	v8 =	vld [tilespmem:s20+$0x220]  }
0x6f: {  	v12 =	vadd.f32 v13, v6;
	v7 =	vld [tilespmem:s20+$0x230]  }
0x70: {  	s21 =	sadd.s32 $0x200, s21;
	v11 =	vadd.f32 v14, v11;
	v6 =	vld [tilespmem:s20+$0x240]  }
0x71: {  	v12 =	vmax.f32 v12, $0.0e+00;
	v5 =	vadd.f32 v5, v10;
	v10 =	vld [tilespmem:s20+$0x250]  }
0x72: {  	[tilespmem:s20+$0x1E0] =	vst v12;
	v11 =	vmax.f32 v11, $0.0e+00;
	v4 =	vadd.f32 v4, v9  }
0x73: {  	[tilespmem:s20+$0x1F0] =	vst v11;
	v5 =	vmax.f32 v5, $0.0e+00;
	v3 =	vadd.f32 v3, v8  }
0x74: {  	[tilespmem:s20+$0x200] =	vst v5;
	v4 =	vmax.f32 v4, $0.0e+00;
	v2 =	vadd.f32 v2, v7  }
0x75: {  	[tilespmem:s20+$0x210] =	vst v4;
	v3 =	vmax.f32 v3, $0.0e+00;
	v1 =	vadd.f32 v1, v6  }
0x76: {  	[tilespmem:s20+$0x220] =	vst v3;
	v2 =	vmax.f32 v2, $0.0e+00;
	v0 =	vadd.f32 v0, v10  }
0x77: {  	[tilespmem:s20+$0x230] =	vst v2;
	v1 =	vmax.f32 v1, $0.0e+00  }
0x78: {  	[tilespmem:s20+$0x240] =	vst v1;
	v0 =	vmax.f32 v0, $0.0e+00  }
0x79: {  	[tilespmem:s20+$0x250] =	vst v0  }
0x7a: {  	v0 =	vld [tilespmem:$0xA0]  }
0x7b: {  	v1 =	vld [tilespmem:$0xB0]  }
0x7c: {  	v2 =	vld [tilespmem:$0xC0]  }
0x7d: {  	v3 =	vld [tilespmem:$0xD0]  }
0x7e: {  	v4 =	vld [tilespmem:$0xE0]  }
0x7f: {  	[tilespmem:$0x140] =	vst v0  }
0x80: {  	s20 =	smul.u32 $0xA0, s17;
	[tilespmem:$0x150] =	vst v1  }
0x81: {  	[tilespmem:$0x160] =	vst v2  }
0x82: {  	s21 =	sadd.s32 s20, s18;
	[tilespmem:$0x170] =	vst v3  }
0x83: {  	s22 =	sshrl.u32 s21, $0x3;
	[tilespmem:$0x180] =	vst v4  }
0x84: {  	[spmem:s5] =	stream.indirect.scatter.add.f32 [tilespmem:s30], [sflag:$0x5], $0x80, s8, s25, $0xb8;
	[tilespmem:$0x1DA60] =	vst v63  }
0x85: {  	s14 =	simm.s32 $0x0;
	s12 =	sadd.s32 s2, s22  }
0x86: {  	[tilespmem:s14], [sflag:$0x1] =	stream.linear.gather [hbm4b:s12+s14], $0x50, $0x38;
	[tilespmem:$0x1DA60] =	vst v63  }
0x87: {  	s22 =	sadd.s32 s3, s22  }
0x88: {  	[tilespmem:s23], [sflag:$0x1] =	stream.linear.gather [hbm4b:s22+s14], $0x50, $0x38;
	[tilespmem:$0x1DA60] =	vst v63  }
0x89: {  	s22 =	sshll.u32 s21, $0x4  }
0x8a: {  	s12 =	sand.u32 $0x1FFFFF00, s22  }
0x8b: {  	s12 =	sadd.s32 s4, s12  }
0x8c: {  	[tilespmem:s24], [sflag:$0x1] =	stream.linear.gather [hbm4b:s12+s14], $0x2800, $0x38;
	[tilespmem:$0x1DA60] =	vst v63  }
0x8d: {  	_ =	swait.ge [sflag:s9], $0x2800  }
0x8e: {  	[sflag:s9] =	ssyncset.done $0x0  }
0x8f: {  	[sflag:s9] =	ssyncadd.s32 $0xFFFFD800  }
0x90: {  	_ =	swait.ge [sflag:s10], $0x2800  }
0x91: {  	[sflag:s10] =	ssyncset.done $0x0  }
0x92: {  	[sflag:s10] =	ssyncadd.s32 $0xFFFFD800  }
0x93: {  	_ =	swait.ge [sflag:s29], $0x50  }
0x94: {  	[sflag:s29] =	ssyncset.done $0x0  }
0x95: {  	[sflag:s29] =	ssyncadd.s32 $0xFFFFFFB0  }
0x96: {  	_ =	swait.ge [sflag:s29], $0x50  }
0x97: {  	[sflag:s29] =	ssyncset.done $0x0  }
0x98: {  	[sflag:s29] =	ssyncadd.s32 $0xFFFFFFB0  }
0x99: {  	_ =	swait.ge [sflag:s29], $0x2800  }
0x9a: {  	[sflag:s29] =	ssyncset.done $0x0  }
0x9b: {  	s21 =	simm.s32 $0x0;
	[sflag:s29] =	ssyncadd.s32 $0xFFFFD800  }
0x9c: {  	[tilespmem:s30], [sflag:$0x3] =	stream.indirect.gather [hbm4b:s0+s25], $0x80, s14, s25, $0xb8;
	[tilespmem:$0x1DA60] =	vst v63  }
0x9d: {  	v6 =	vld [tilespmem:s21+$0x79E0]  }
0x9e: {  	v11 =	vld [tilespmem:s21+$0x79F0]  }
0x9f: {  	v5 =	vld [tilespmem:s21+$0x7A00]  }
0xa0: {  	v4 =	vld [tilespmem:s21+$0x7A10]  }
0xa1: {  	v3 =	vld [tilespmem:s21+$0x7A20]  }
0xa2: {  	v2 =	vld [tilespmem:s21+$0x7A30]  }
0xa3: {  	v1 =	vld [tilespmem:s21+$0x7A40]  }
0xa4: {  	v0 =	vld [tilespmem:s21+$0x7A50]  }
0xa5: {  	v12 =	vld [tilespmem:s21+$0x29E0]  }
0xa6: {  	v13 =	vld [tilespmem:s21+$0x29F0]  }
0xa7: {  	v10 =	vld [tilespmem:s21+$0x2A00]  }
0xa8: {  	v9 =	vld [tilespmem:s21+$0x2A10]  }
0xa9: {  	v8 =	vld [tilespmem:s21+$0x2A20]  }
0xaa: {  	v7 =	vld [tilespmem:s21+$0x2A30];
	v12 =	vadd.f32 v6, v12  }
0xab: {  	s22 =	simm.s32 $0x200;
	v11 =	vadd.f32 v11, v13;
	v6 =	vld [tilespmem:s21+$0x2A40]  }
.LBB2_5:
0xac: {  	s12 =	sshra.s32 s22, $0x2;
	p1 =	sne.s32 s22, $0x9E00;
	v12 =	vmax.f32 v12, $0.0e+00;
	v5 =	vadd.f32 v5, v10;
	v10 =	vld [tilespmem:s21+$0x2A50]  }
0xad: {  	v13 =	vld [tilespmem:s12+$0x79E0];
	[tilespmem:s21+$0x29E0] =	vst v12;
	v11 =	vmax.f32 v11, $0.0e+00;
	v4 =	vadd.f32 v4, v9  }
0xae: {  	v14 =	vld [tilespmem:s12+$0x79F0];
	[tilespmem:s21+$0x29F0] =	vst v11;
	v9 =	vmax.f32 v5, $0.0e+00;
	v3 =	vadd.f32 v3, v8  }
0xaf: {  	v5 =	vld [tilespmem:s12+$0x7A00];
	[tilespmem:s21+$0x2A00] =	vst v9;
	v8 =	vmax.f32 v4, $0.0e+00;
	v2 =	vadd.f32 v2, v7  }
0xb0: {  	v4 =	vld [tilespmem:s12+$0x7A10];
	[tilespmem:s21+$0x2A10] =	vst v8;
	v7 =	vmax.f32 v3, $0.0e+00;
	v1 =	vadd.f32 v1, v6  }
0xb1: {  	v3 =	vld [tilespmem:s12+$0x7A20];
	[tilespmem:s21+$0x2A20] =	vst v7;
	v6 =	vmax.f32 v2, $0.0e+00;
	v0 =	vadd.f32 v0, v10  }
0xb2: {  	v2 =	vld [tilespmem:s12+$0x7A30];
	[tilespmem:s21+$0x2A30] =	vst v6;
	v6 =	vmax.f32 v1, $0.0e+00  }
0xb3: {  	v1 =	vld [tilespmem:s12+$0x7A40];
	[tilespmem:s21+$0x2A40] =	vst v6;
	v6 =	vmax.f32 v0, $0.0e+00  }
0xb4: {  	v0 =	vld [tilespmem:s12+$0x7A50];
	[tilespmem:s21+$0x2A50] =	vst v6;
	s21 =	smov.u32 s12  }
0xb5: {  	v6 =	vld [tilespmem:s21+$0x29E0]  }
0xb6: {  	v11 =	vld [tilespmem:s21+$0x29F0]  }
.Ltmp1:
0xb7: {  	v10 =	vld [tilespmem:s21+$0x2A00];
	(pc) =	sbr.rel @p1 .LBB2_5-.Ltmp1, $4  }
0xb8: {  	v9 =	vld [tilespmem:s21+$0x2A10]  }
0xb9: {  	v8 =	vld [tilespmem:s21+$0x2A20]  }
0xba: {  	v12 =	vadd.f32 v13, v6;
	v7 =	vld [tilespmem:s21+$0x2A30]  }
0xbb: {  	s22 =	sadd.s32 $0x200, s22;
	v11 =	vadd.f32 v14, v11;
	v6 =	vld [tilespmem:s21+$0x2A40]  }
0xbc: {  	v12 =	vmax.f32 v12, $0.0e+00;
	v5 =	vadd.f32 v5, v10;
	v63 =	vld [tilespmem:s21+$0x2A50]  }
0xbd: {  	[tilespmem:s21+$0x29E0] =	vst v12;
	v11 =	vmax.f32 v11, $0.0e+00;
	v4 =	vadd.f32 v4, v9  }
0xbe: {  	[tilespmem:s21+$0x29F0] =	vst v11;
	v5 =	vmax.f32 v5, $0.0e+00;
	v3 =	vadd.f32 v3, v8  }
0xbf: {  	[tilespmem:s21+$0x2A00] =	vst v5;
	v4 =	vmax.f32 v4, $0.0e+00;
	v2 =	vadd.f32 v2, v7  }
0xc0: {  	[tilespmem:s21+$0x2A10] =	vst v4;
	v3 =	vmax.f32 v3, $0.0e+00;
	v1 =	vadd.f32 v1, v6  }
0xc1: {  	[tilespmem:s21+$0x2A20] =	vst v3;
	v2 =	vmax.f32 v2, $0.0e+00;
	v0 =	vadd.f32 v0, v63  }
0xc2: {  	[tilespmem:s21+$0x2A30] =	vst v2;
	v1 =	vmax.f32 v1, $0.0e+00  }
0xc3: {  	[tilespmem:s21+$0x2A40] =	vst v1;
	v0 =	vmax.f32 v0, $0.0e+00  }
0xc4: {  	[tilespmem:s21+$0x2A50] =	vst v0  }
0xc5: {  	v0 =	vld [tilespmem:$0xF0]  }
0xc6: {  	v1 =	vld [tilespmem:$0x100]  }
0xc7: {  	v2 =	vld [tilespmem:$0x110]  }
0xc8: {  	v3 =	vld [tilespmem:$0x120]  }
0xc9: {  	v4 =	vld [tilespmem:$0x130]  }
0xca: {  	p1 =	seq.s32 s17, $0x3D;
	[tilespmem:$0x190] =	vst v0  }
.Ltmp2:
0xcb: {  	[tilespmem:$0x1A0] =	vst v1;
	(pc) =	sbr.rel @p1 .LBB2_8-.Ltmp2, $4  }
0xcc: {  	[tilespmem:$0x1B0] =	vst v2  }
0xcd: {  	[tilespmem:$0x1C0] =	vst v3  }
0xce: {  	[tilespmem:$0x1D0] =	vst v4  }
0xcf: {  	[spmem:s5] =	stream.indirect.scatter.add.f32 [tilespmem:s6], [sflag:$0x6], $0x80, s11, s25, $0xb8;
	[tilespmem:$0x1DA60] =	vst v63  }
0xd0: {  	s12 =	sadd.s32 s20, s19  }
0xd1: {  	s14 =	sshrl.u32 s12, $0x3  }
0xd2: {  	s22 =	sadd.s32 s2, s14  }
0xd3: {  	[tilespmem:s25], [sflag:$0x2] =	stream.linear.gather [hbm4b:s22+s7], $0x50, $0x38;
	[tilespmem:$0x1DA60] =	vst v63  }
.Ltmp3:
0xd4: {  	s12 =	sshll.u32 s12, $0x4;
	(pc) =	sbr.rel .LBB2_2-.Ltmp3, $4  }
0xd5: {  	s14 =	sadd.s32 s3, s14;
	s12 =	sand.u32 $0x1FFFFF00, s12  }
0xd6: {  	[tilespmem:s26], [sflag:$0x2] =	stream.linear.gather [hbm4b:s14+s7], $0x50, $0x38;
	[tilespmem:$0x1DA60] =	vst v63  }
0xd7: {  	s17 =	sadd.s32 $0x1, s17;
	s12 =	sadd.s32 s4, s12  }
0xd8: {  	[tilespmem:s28], [sflag:$0x2] =	stream.linear.gather [hbm4b:s12+s7], $0x2800, $0x38;
	[tilespmem:$0x1DA60] =	vst v63  }
.LBB2_8:
0xd9: {  	_ =	swait.ge [sflag:s31], $0x2800  }
0xda: {  	[sflag:s31] =	ssyncset.done $0x0  }
0xdb: {  	s17 =	simm.s32 $0x0;
	[sflag:s31] =	ssyncadd.s32 $0xFFFFD800  }
0xdc: {  	v6 =	vld [tilespmem:s17+$0x51E0]  }
0xdd: {  	v11 =	vld [tilespmem:s17+$0x51F0]  }
0xde: {  	v5 =	vld [tilespmem:s17+$0x5200]  }
0xdf: {  	v4 =	vld [tilespmem:s17+$0x5210]  }
0xe0: {  	v3 =	vld [tilespmem:s17+$0x5220]  }
0xe1: {  	v2 =	vld [tilespmem:s17+$0x5230]  }
0xe2: {  	v1 =	vld [tilespmem:s17+$0x5240]  }
0xe3: {  	v0 =	vld [tilespmem:s17+$0x5250]  }
0xe4: {  	v12 =	vld [tilespmem:s17+$0x1E0]  }
0xe5: {  	v13 =	vld [tilespmem:s17+$0x1F0]  }
0xe6: {  	v10 =	vld [tilespmem:s17+$0x200]  }
0xe7: {  	v9 =	vld [tilespmem:s17+$0x210]  }
0xe8: {  	v8 =	vld [tilespmem:s17+$0x220]  }
0xe9: {  	v7 =	vld [tilespmem:s17+$0x230];
	v12 =	vadd.f32 v6, v12  }
0xea: {  	s20 =	simm.s32 $0x200;
	v11 =	vadd.f32 v11, v13;
	v6 =	vld [tilespmem:s17+$0x240]  }
.LBB2_9:
0xeb: {  	s12 =	sshra.s32 s20, $0x2;
	p1 =	sne.s32 s20, $0x9E00;
	v12 =	vmax.f32 v12, $0.0e+00;
	v5 =	vadd.f32 v5, v10;
	v10 =	vld [tilespmem:s17+$0x250]  }
0xec: {  	v13 =	vld [tilespmem:s12+$0x51E0];
	[tilespmem:s17+$0x1E0] =	vst v12;
	v11 =	vmax.f32 v11, $0.0e+00;
	v4 =	vadd.f32 v4, v9  }
0xed: {  	v14 =	vld [tilespmem:s12+$0x51F0];
	[tilespmem:s17+$0x1F0] =	vst v11;
	v9 =	vmax.f32 v5, $0.0e+00;
	v3 =	vadd.f32 v3, v8  }
0xee: {  	v5 =	vld [tilespmem:s12+$0x5200];
	[tilespmem:s17+$0x200] =	vst v9;
	v8 =	vmax.f32 v4, $0.0e+00;
	v2 =	vadd.f32 v2, v7  }
0xef: {  	v4 =	vld [tilespmem:s12+$0x5210];
	[tilespmem:s17+$0x210] =	vst v8;
	v7 =	vmax.f32 v3, $0.0e+00;
	v1 =	vadd.f32 v1, v6  }
0xf0: {  	v3 =	vld [tilespmem:s12+$0x5220];
	[tilespmem:s17+$0x220] =	vst v7;
	v6 =	vmax.f32 v2, $0.0e+00;
	v0 =	vadd.f32 v0, v10  }
0xf1: {  	v2 =	vld [tilespmem:s12+$0x5230];
	[tilespmem:s17+$0x230] =	vst v6;
	v6 =	vmax.f32 v1, $0.0e+00  }
0xf2: {  	v1 =	vld [tilespmem:s12+$0x5240];
	[tilespmem:s17+$0x240] =	vst v6;
	v6 =	vmax.f32 v0, $0.0e+00  }
0xf3: {  	v0 =	vld [tilespmem:s12+$0x5250];
	[tilespmem:s17+$0x250] =	vst v6;
	s17 =	smov.u32 s12  }
0xf4: {  	v6 =	vld [tilespmem:s17+$0x1E0]  }
0xf5: {  	v11 =	vld [tilespmem:s17+$0x1F0]  }
.Ltmp4:
0xf6: {  	v10 =	vld [tilespmem:s17+$0x200];
	(pc) =	sbr.rel @p1 .LBB2_9-.Ltmp4, $4  }
0xf7: {  	v9 =	vld [tilespmem:s17+$0x210]  }
0xf8: {  	v8 =	vld [tilespmem:s17+$0x220]  }
0xf9: {  	v12 =	vadd.f32 v13, v6;
	v7 =	vld [tilespmem:s17+$0x230]  }
0xfa: {  	s20 =	sadd.s32 $0x200, s20;
	v11 =	vadd.f32 v14, v11;
	v6 =	vld [tilespmem:s17+$0x240]  }
0xfb: {  	v12 =	vmax.f32 v12, $0.0e+00;
	v5 =	vadd.f32 v5, v10;
	v63 =	vld [tilespmem:s17+$0x250]  }
0xfc: {  	[tilespmem:s17+$0x1E0] =	vst v12;
	v11 =	vmax.f32 v11, $0.0e+00;
	v4 =	vadd.f32 v4, v9  }
0xfd: {  	[tilespmem:s17+$0x1F0] =	vst v11;
	v5 =	vmax.f32 v5, $0.0e+00;
	v3 =	vadd.f32 v3, v8  }
0xfe: {  	[tilespmem:s17+$0x200] =	vst v5;
	v4 =	vmax.f32 v4, $0.0e+00;
	v2 =	vadd.f32 v2, v7  }
0xff: {  	[tilespmem:s17+$0x210] =	vst v4;
	v3 =	vmax.f32 v3, $0.0e+00;
	v1 =	vadd.f32 v1, v6  }
0x100: {  	[tilespmem:s17+$0x220] =	vst v3;
	v2 =	vmax.f32 v2, $0.0e+00;
	v0 =	vadd.f32 v0, v63  }
0x101: {  	[tilespmem:s17+$0x230] =	vst v2;
	v1 =	vmax.f32 v1, $0.0e+00  }
0x102: {  	[tilespmem:s17+$0x240] =	vst v1;
	v0 =	vmax.f32 v0, $0.0e+00  }
0x103: {  	[tilespmem:s17+$0x250] =	vst v0  }
0x104: {  	v0 =	vld [tilespmem:$0xA0]  }
0x105: {  	v1 =	vld [tilespmem:$0xB0]  }
0x106: {  	v2 =	vld [tilespmem:$0xC0]  }
0x107: {  	v3 =	vld [tilespmem:$0xD0]  }
0x108: {  	v4 =	vld [tilespmem:$0xE0]  }
0x109: {  	[tilespmem:$0x140] =	vst v0  }
0x10a: {  	[tilespmem:$0x150] =	vst v1  }
0x10b: {  	[tilespmem:$0x160] =	vst v2  }
0x10c: {  	[tilespmem:$0x170] =	vst v3  }
0x10d: {  	[tilespmem:$0x180] =	vst v4  }
0x10e: {  	[spmem:s5] =	stream.indirect.scatter.add.f32 [tilespmem:s30], [sflag:$0x5], $0x80, s8, s25, $0xb8;
	[tilespmem:$0x1DA60] =	vst v63  }
0x10f: {  	_ =	swait.ge [sflag:s10], $0x2800  }
0x110: {  	[sflag:s10] =	ssyncset.done $0x0  }
0x111: {  	s12 =	simm.s32 $0x6;
	[sflag:s10] =	ssyncadd.s32 $0xFFFFD800  }
0x112: {  	_ =	swait.ge [sflag:s12], $0x2800  }
0x113: {  	[sflag:s12] =	ssyncset.done $0x0  }
0x114: {  	[sflag:s12] =	ssyncadd.s32 $0xFFFFD800  }
0x115: {  	[bflag:$0x0] =	sbarrier.arrive $0xFFFF  }
0x116: {  	s14 =	rddreg [dreg:$0x13]  }
0x117: {  	s12 =	simm.s32 @p0 $0x1FC7;
	s17 =	rddreg [dreg:$0x15]  }
0x118: {  	[hbm:s14], [sflag:s12] =	dma.local @p0 [spmem:s17], $0x2080  }
0x119: {  	s12 =	simm.s32 @p0 $0x7  }
0x11a: {  	_ =	swait.ge @p0 [sflag:s12], $0x2080  }
0x11b: {  	[sflag:s12] =	ssyncset.done @p0 $0x0  }
0x11c: {  	[sflag:s12] =	ssyncadd.s32 @p0 $0xFFFFDF80;
	s12 =	rddreg [dreg:$0x12]  }
0x11d: {  	[hbm:s12], [sflag:s15] =	dma.local @!p0 [spmem:s16], $0x2780  }
0x11e: {  	s12 =	simm.s32 @!p0 $0x7  }
0x11f: {  	_ =	swait.ge @!p0 [sflag:s12], $0x2780  }
0x120: {  	s13 =	sadd.s32 $0x1, s13;
	s22 =	rddreg [dreg:$0x14]  }
0x121: {  	p1 =	sne.s32 s13, s22  }
.Ltmp5:
0x122: {  	_ = 	snop;
	(pc) =	sbr.rel @p1 .LBB2_1-.Ltmp5, $3  }
0x123: {  	_ =	sdelay $0x1  }
0x124: {  	[sflag:s12] =	ssyncset.done @!p0 $0x0  }
0x125: {  	[sflag:s12] =	ssyncadd.s32 @!p0 $0xFFFFD880  }
0x126: {  	_ =	sfence.sel $0x180000  }
0x127: {  	[bflag:$0x0] =	sbarrier.arrive $0xFFFF  }
0x128: {  	_ =	strace $0x90000047  }
0x129: {  	s0 =	stileid.u32;
	[bflag:$0x2] =	sbarrier.arrive $0xFFFF  }
0x12a: {  	p0 =	sne.s32 s0, $0x0;
	s0 =	rddreg [dreg:$0x7]  }
0x12b: {  	s0 =	sadd.s32 @!p0 $0x100000, s0  }
0x12c: {  	[sflag:s0] =	ssyncadd.tile.s32 @!p0 $0x1;
	_ =	shalt  }
.Lfunc_end2:
_tile_overlayer_lowered:
.L_overlay_start_2:
0x12d: {  	(tag) =	ssettag $0x2  }
0x12e: {  	s0 =	rddreg [dreg:$0x0];
	s2 =	stileid.u32  }
0x12f: {  	s1 =	rddreg [dreg:$0x1];
	p0 =	sne.s32 s2, $0x0  }
0x130: {  	s3 =	rddreg [dreg:$0x2];
	[bflag:$0x3] =	sbarrier.arrive $0xFFFF;
	s2 =	simm.s32 @!p0 $0x1C07  }
0x131: {  	[timem:s3], [sflag:s2] =	dma.local @!p0 [hbm:s0], s1  }
0x132: {  	s0 =	simm.s32 @!p0 $0x7  }
0x133: {  	_ =	swait.ge @!p0 [sflag:s0], s1  }
0x134: {  	s1 =	ssub.s32 @!p0 $0x0, s1;
	[sflag:s0] =	ssyncset.done @!p0 $0x0  }
0x135: {  	[sflag:s0] =	ssyncadd.s32 @!p0 s1  }
0x136: {  	[bflag:$0x3] =	sbarrier.arrive $0xFFFF  }
0x137: {  	_ =	shalt  }

</sc_bundles>
